<compile_context>
chip_gen: v7x
topology: tpu7x:2x2x1
jax: 0.10.2.dev20260603
libtpu: 0.0.44.dev20260713+nightly
codegen_flags: <defaults>
</compile_context>

<pallas_src>
import functools

import jax
import jax.numpy as jnp
from jax import lax
from jax.experimental import pallas as pl
from jax.experimental.pallas import tpu as pltpu
from jax.experimental.pallas import tpu_sc as plsc

B, T, F, H, FS, OD, TK = 1024, 50, 8, 64, 8, 1, 4
M = 100000
MT = 8192
M_PAD = ((M + MT - 1) // MT) * MT
N_TILES = M_PAD // MT
BIG_I = 2**30
INF = float("inf")


INT_MAX = 2**31 - 1
NCOL = MT // 128


def _cand_kernel(q_ref, metaT_ref, keys_ref, idx_ref):
    pid = pl.program_id(0)
    q = q_ref[...]
    mt = metaT_ref[...]
    norms = jnp.sum(mt * mt, axis=0, keepdims=True)
    qm = jnp.dot(q, mt, preferred_element_type=jnp.float32)
    s = norms - 2.0 * qm

    lane128 = lax.broadcasted_iota(jnp.int32, (1, 128), 1)
    nodes = [(s[:, c * 128:(c + 1) * 128], lane128 + c * 128)
             for c in range(NCOL)]

    def _comb(a, b):
        if len(a) == 2:
            av, ap = a
            bv, bp = b
            t = av <= bv
            return (jnp.minimum(av, bv), jnp.where(t, ap, bp),
                    jnp.maximum(av, bv), jnp.where(t, bp, ap))
        av, ap, av2, ap2 = a
        bv, bp, bv2, bp2 = b
        t = av <= bv
        m1v = jnp.minimum(av, bv)
        m1p = jnp.where(t, ap, bp)
        lv = jnp.maximum(av, bv)
        lp = jnp.where(t, bp, ap)
        t2 = av2 <= bv2
        cv = jnp.minimum(av2, bv2)
        cp = jnp.where(t2, ap2, bp2)
        t3 = cv <= lv
        return (m1v, m1p, jnp.minimum(cv, lv), jnp.where(t3, cp, lp))

    while len(nodes) > 1:
        nodes = [_comb(nodes[i], nodes[i + 1]) for i in range(0, len(nodes), 2)]
    fv = jnp.concatenate([nodes[0][0], nodes[0][2]], axis=1)
    fp = jnp.concatenate([nodes[0][1], nodes[0][3]], axis=1)

    lane256 = lax.broadcasted_iota(jnp.int32, (1, 256), 1)
    off = pid * MT
    ks, gs = [], []
    for _ in range(TK):
        m = jnp.min(fv, axis=1, keepdims=True)
        mp = jnp.min(jnp.where(fv == m, fp, BIG_I), axis=1, keepdims=True)
        slot = jnp.min(jnp.where((fv == m) & (fp == mp), lane256, BIG_I),
                       axis=1, keepdims=True)
        ks.append(m)
        gs.append(off + mp)
        fv = jnp.where(lane256 == slot, INF, fv)
    keys_ref[...] = jnp.concatenate(ks, axis=1)[None]
    idx_ref[...] = jnp.concatenate(gs, axis=1)[None]


def _merge_kernel(keys_ref, cidx_ref, idx_ref):
    keys = keys_ref[...]
    cidx = cidx_ref[...]
    n = N_TILES * TK
    lane = lax.broadcasted_iota(jnp.int32, (1, n), 1)
    outs = []
    for _ in range(TK):
        m = jnp.min(keys, axis=1, keepdims=True)
        mi = jnp.min(jnp.where(keys == m, cidx, BIG_I), axis=1, keepdims=True)
        slot = jnp.min(jnp.where((keys == m) & (cidx == mi), lane, BIG_I),
                       axis=1, keepdims=True)
        outs.append(mi)
        keys = jnp.where(lane == slot, INF, keys)
    idx_ref[...] = jnp.concatenate(
        outs + [jnp.full((B, 1), BIG_I, jnp.int32)] * (8 - TK), axis=1)


def _topk(q, metaT_pad):
    keys, cidx = pl.pallas_call(
        _cand_kernel,
        grid=(N_TILES,),
        in_specs=[
            pl.BlockSpec((B, T), lambda i: (0, 0)),
            pl.BlockSpec((T, MT), lambda i: (0, i)),
        ],
        out_specs=[
            pl.BlockSpec((1, B, TK), lambda i: (i, 0, 0)),
            pl.BlockSpec((1, B, TK), lambda i: (i, 0, 0)),
        ],
        out_shape=[
            jax.ShapeDtypeStruct((N_TILES, B, TK), jnp.float32),
            jax.ShapeDtypeStruct((N_TILES, B, TK), jnp.int32),
        ],
    )(q, metaT_pad)
    keys = keys.transpose(1, 0, 2).reshape(B, N_TILES * TK)
    cidx = cidx.transpose(1, 0, 2).reshape(B, N_TILES * TK)
    return pl.pallas_call(
        _merge_kernel,
        out_shape=jax.ShapeDtypeStruct((B, 8), jnp.int32),
    )(keys, cidx)


_NC, _NS = 2, 16
_NW = _NC * _NS
_BTK = B * TK
_BPW = _BTK // _NW
_DPAD = 128


def _sc_gather(table_pad, idx_flat):
    mesh = plsc.VectorSubcoreMesh(core_axis_name="c", subcore_axis_name="s")

    nchunk = _BPW // 128

    @functools.partial(
        pl.kernel, mesh=mesh,
        out_type=jax.ShapeDtypeStruct((_BTK, _DPAD), jnp.float32),
        scratch_types=[
            pltpu.VMEM((nchunk, 128), jnp.int32),
            pltpu.VMEM((_BPW, _DPAD), jnp.float32),
            pltpu.SemaphoreType.DMA,
        ],
    )
    def k(table_hbm, idx_hbm, out_hbm, idx_v, rows_v, sem):
        wid = lax.axis_index("s") * _NC + lax.axis_index("c")
        base = wid * _BPW
        for j in range(nchunk):
            pltpu.sync_copy(idx_hbm.at[pl.ds(base + j * 128, 128)], idx_v.at[j])
        copies = [
            pltpu.async_copy(table_hbm.at[idx_v.at[j]],
                             rows_v.at[pl.ds(j * 128, 128)], sem)
            for j in range(nchunk)
        ]
        for c in copies:
            c.wait()
        pltpu.sync_copy(rows_v, out_hbm.at[pl.ds(base, _BPW)])

    return k(table_pad, idx_flat)


def _forecast_kernel(xT_ref, q_ref, rag_ref,
                     WihT_ref, WhhT_ref, bih_ref, bhh_ref,
                     foWT_ref, fob_ref, rfWT_ref, rfb_ref,
                     gW1T_ref, gb1_ref, gW2T_ref, gb2_ref,
                     out_ref):
    WihT = WihT_ref[...]
    WhhT = WhhT_ref[...]
    bih = bih_ref[...]
    bhh = bhh_ref[...]

    def step(t, h):
        xt = xT_ref[t]
        gi = jnp.dot(xt, WihT, preferred_element_type=jnp.float32) + bih
        gh = jnp.dot(h, WhhT, preferred_element_type=jnp.float32) + bhh
        r = jax.nn.sigmoid(gi[:, :H] + gh[:, :H])
        z = jax.nn.sigmoid(gi[:, H:2 * H] + gh[:, H:2 * H])
        n = jnp.tanh(gi[:, 2 * H:] + r * gh[:, 2 * H:])
        return (1.0 - z) * n + z * h

    h = lax.fori_loop(0, T, step, jnp.zeros((B, H), jnp.float32))

    q = q_ref[...]
    rag = rag_ref[...]
    t1 = jnp.tanh(jnp.dot(q, gW1T_ref[...], preferred_element_type=jnp.float32) + gb1_ref[...])
    gate = jax.nn.sigmoid(jnp.dot(t1, gW2T_ref[...], preferred_element_type=jnp.float32) + gb2_ref[...])
    ragl = jnp.dot(rag, rfWT_ref[...], preferred_element_type=jnp.float32) + rfb_ref[...]
    out = jnp.dot(h, foWT_ref[...], preferred_element_type=jnp.float32) + fob_ref[...]
    out_ref[...] = out + gate * ragl


def _forecast(xT, q, rag, WihT, WhhT, bih, bhh, foWT, fob, rfWT, rfb,
              gW1T, gb1, gW2T, gb2):
    return pl.pallas_call(
        _forecast_kernel,
        out_shape=jax.ShapeDtypeStruct((B, FS * OD), jnp.float32),
    )(xT, q, rag, WihT, WhhT, bih, bhh, foWT, fob, rfWT, rfb,
      gW1T, gb1, gW2T, gb2)


@jax.jit
def kernel(x, W_ih, W_hh, b_ih, b_hh, fo_W, fo_b, rf_W, rf_b,
           g_W1, g_b1, g_W2, g_b2, meta_sequences, meta_labels):
    q = x[:, :, 3]
    metaT = jnp.pad(meta_sequences.T, ((0, 0), (0, M_PAD - M)),
                    constant_values=1e18)
    idx8 = _topk(q, metaT)
    idx = idx8[:, :TK]

    labels_pad = jnp.pad(meta_labels, ((0, 0), (0, _DPAD - FS)))
    rows = _sc_gather(labels_pad, idx.reshape(_BTK))
    rag = rows[:, :FS].reshape(B, TK * FS)

    xT = jnp.transpose(x, (1, 0, 2))
    out = _forecast(
        xT, q, rag,
        W_ih.T, W_hh.T, b_ih[None, :], b_hh[None, :],
        fo_W.T, fo_b[None, :], rf_W.T, rf_b[None, :],
        g_W1.T, g_b1[None, :], g_W2.T, g_b2[None, :],
    )
    return out

# --- scband reference (transcript-rebuilt; emitter-appended) ---
"""Pipeline reference for scband-grku-72584947302756 (READ-ONLY COPY).

The authoritative reference and input builder live on the scoring server;
editing this copy changes nothing except your own understanding.
"""

import jax, jax.numpy as jnp
import numpy as np

B, T, F, H, FS, OD, TK, M = 1024, 50, 8, 64, 8, 1, 4, 100000

def setup_inputs(seed: int = 0):
    key = jax.random.key(seed)
    ks = jax.random.split(key, 16)
    s = 0.1
    return {
        "x": jax.random.normal(ks[0], (B, T, F), dtype=jnp.float32),
        "W_ih": jax.random.normal(ks[1], (3 * H, F), dtype=jnp.float32) * s,
        "W_hh": jax.random.normal(ks[2], (3 * H, H), dtype=jnp.float32) * s,
        "b_ih": jax.random.normal(ks[3], (3 * H,), dtype=jnp.float32) * s,
        "b_hh": jax.random.normal(ks[4], (3 * H,), dtype=jnp.float32) * s,
        "fo_W": jax.random.normal(ks[5], (FS * OD, H), dtype=jnp.float32) * s,
        "fo_b": jax.random.normal(ks[6], (FS * OD,), dtype=jnp.float32) * s,
        "rf_W": jax.random.normal(ks[7], (FS * OD, TK * FS), dtype=jnp.float32) * 0.01,
        "rf_b": jnp.zeros((FS * OD,), dtype=jnp.float32),
        "g_W1": jax.random.normal(ks[8], (32, T), dtype=jnp.float32) * s,
        "g_b1": jax.random.normal(ks[9], (32,), dtype=jnp.float32) * s,
        "g_W2": jax.random.normal(ks[10], (FS * OD, 32), dtype=jnp.float32) * s,
        "g_b2": jax.random.normal(ks[11], (FS * OD,), dtype=jnp.float32) * s,
        "meta_sequences": jax.random.normal(ks[12], (M, T), dtype=jnp.float32),
        "meta_labels": jax.random.normal(ks[13], (M, FS), dtype=jnp.float32),
    }

def _forward(x, W_ih, W_hh, b_ih, b_hh, fo_W, fo_b, rf_W, rf_b, g_W1, g_b1, g_W2, g_b2, meta_sequences, meta_labels):
    Bs = x.shape[0]
    # RAG retrieval path: query = channel 3 over the window (x.size(1) == window_size)
    q = x[:, :, 3]
    # FAISS IndexFlatL2 equivalent: exact L2 distances, top_k smallest
    d2 = jnp.sum(q * q, axis=1, keepdims=True) - 2.0 * (q @ meta_sequences.T) + jnp.sum(meta_sequences * meta_sequences, axis=1)[None, :]
    _, idx = jax.lax.top_k(-d2, TK)
    # rag_references is detached in the torch code
    rag_refs = jax.lax.stop_gradient(jnp.take(meta_labels, idx, axis=0))  # [B, TK, FS]
    # gate network: Linear(window,32) -> Tanh -> Linear(32, FS*OD) -> Sigmoid
    gate = jax.nn.sigmoid(jnp.tanh(q @ g_W1.T + g_b1) @ g_W2.T + g_b2).reshape(Bs, FS, OD)
    rag_c = (rag_refs.reshape(Bs, TK * FS) @ rf_W.T + rf_b).reshape(Bs, FS, OD)
    rag_c = (gate * rag_c).reshape(Bs, FS * OD)
    # GRKULayer approximated as a single-layer GRU returning (outputs, h_n)
    def step(h, xt):
        gi = xt @ W_ih.T + b_ih
        gh = h @ W_hh.T + b_hh
        i_r, i_z, i_n = jnp.split(gi, 3, axis=1)
        h_r, h_z, h_n = jnp.split(gh, 3, axis=1)
        r = jax.nn.sigmoid(i_r + h_r)
        z = jax.nn.sigmoid(i_z + h_z)
        n = jnp.tanh(i_n + r * h_n)
        hn = (1.0 - z) * n + z * h
        return hn, hn
    h_last, _ = jax.lax.scan(step, jnp.zeros((Bs, H), dtype=x.dtype), jnp.swapaxes(x, 0, 1))
    out = h_last @ fo_W.T + fo_b + rag_c
    return out.reshape(Bs, FS * OD)

def reference(x, W_ih, W_hh, b_ih, b_hh, fo_W, fo_b, rf_W, rf_b, g_W1, g_b1, g_W2, g_b2, meta_sequences, meta_labels):
    return _forward(x, W_ih, W_hh, b_ih, b_hh, fo_W, fo_b, rf_W, rf_b, g_W1, g_b1, g_W2, g_b2, meta_sequences, meta_labels)

if __name__ == "__main__":
    import jax
    _d = setup_inputs()
    print(jax.jit(kernel)(*tuple(_d.values())))

</pallas_src>

<mosaic_0001>
#map = affine_map<(d0, d1) -> (0, 0)>
#map1 = affine_map<(d0, d1) -> (0)>
module attributes {stable_mosaic.version = 14 : i64} {
  func.func @k(%arg0: i32, %arg1: i32, %arg2: memref<100000x128xf32, #tpu.memory_space<hbm>>, %arg3: memref<4096xi32, #tpu.memory_space<hbm>>, %arg4: memref<4096x128xf32, #tpu.memory_space<hbm>>, %arg5: memref<1x128xi32, #tpu.memory_space<vmem>>, %arg6: memref<128x128xf32, #tpu.memory_space<vmem>>, %arg7: memref<!tpu.dma_semaphore, #tpu.memory_space<semaphore_mem>>) attributes {dimension_semantics = [#tpu.dimension_semantics<core_parallel>, #tpu.dimension_semantics<subcore_parallel>], iteration_bounds = array<i64: 2, 16>, scalar_prefetch = 0 : i64, scratch_operands = 3 : i64, tpu.core_type = #tpu.core_type<sc_vector_subcore>, window_params = [{transform_indices = #map}, {transform_indices = #map1}, {transform_indices = #map}]} {
    %mul3A = arith.constant 2 : i32
    %mul3A_0 = arith.muli %arg1, %mul3A : i32
    %add3A = arith.addi %mul3A_0, %arg0 : i32
    %mul3A_1 = arith.constant 128 : i32
    %mul3A_2 = arith.muli %add3A, %mul3A_1 : i32
    %add3A_3 = arith.constant 0 : i32
    %add3A_4 = arith.addi %mul3A_2, %add3A_3 : i32
    %run_scoped3A = arith.constant 0 : i32
    "tpu.region"() ({
      %run_scoped3A_23 = tpu.sem_alloc : memref<!tpu.dma_semaphore, #tpu.memory_space<semaphore_mem>>
      %dma_start3A_24 = arith.constant 0 : i32
      %dma_start3A_25 = tpu.memref_slice %arg5[%run_scoped3A, %dma_start3A_24] : memref<1x128xi32, #tpu.memory_space<vmem>> -> memref<1x128xi32, #tpu.memory_space<vmem>>
      %dma_start3A_26 = tpu.memref_squeeze %dma_start3A_25 : memref<1x128xi32, #tpu.memory_space<vmem>> -> memref<128xi32, #tpu.memory_space<vmem>>
      %dma_start3A_27 = tpu.memref_slice %arg3[%add3A_4] : memref<4096xi32, #tpu.memory_space<hbm>> -> memref<128xi32, #tpu.memory_space<hbm>>
      %dma_start3A_28 = arith.constant 0 : i32
      %dma_start3A_29 = tpu.memref_slice %arg5[%run_scoped3A, %dma_start3A_28] : memref<1x128xi32, #tpu.memory_space<vmem>> -> memref<1x128xi32, #tpu.memory_space<vmem>>
      %dma_start3A_30 = tpu.memref_squeeze %dma_start3A_29 : memref<1x128xi32, #tpu.memory_space<vmem>> -> memref<128xi32, #tpu.memory_space<vmem>>
      %dma_start3A_31 = tpu.memref_slice %arg3[%add3A_4] : memref<4096xi32, #tpu.memory_space<hbm>> -> memref<128xi32, #tpu.memory_space<hbm>>
      tpu.enqueue_dma source(%dma_start3A_31 : memref<128xi32, #tpu.memory_space<hbm>>) target(%dma_start3A_30 : memref<128xi32, #tpu.memory_space<vmem>>) target_semaphore(%run_scoped3A_23 : memref<!tpu.dma_semaphore, #tpu.memory_space<semaphore_mem>>)
      %dma_wait3A_32 = arith.constant 0 : i32
      %dma_wait3A_33 = tpu.memref_slice %arg5[%run_scoped3A, %dma_wait3A_32] : memref<1x128xi32, #tpu.memory_space<vmem>> -> memref<1x128xi32, #tpu.memory_space<vmem>>
      %dma_wait3A_34 = tpu.memref_squeeze %dma_wait3A_33 : memref<1x128xi32, #tpu.memory_space<vmem>> -> memref<128xi32, #tpu.memory_space<vmem>>
      %dma_wait3A_35 = tpu.memref_slice %arg3[%add3A_4] : memref<4096xi32, #tpu.memory_space<hbm>> -> memref<128xi32, #tpu.memory_space<hbm>>
      %dma_wait3A_36 = arith.constant 0 : i32
      %dma_wait3A_37 = tpu.memref_slice %arg5[%run_scoped3A, %dma_wait3A_36] : memref<1x128xi32, #tpu.memory_space<vmem>> -> memref<1x128xi32, #tpu.memory_space<vmem>>
      %dma_wait3A_38 = tpu.memref_squeeze %dma_wait3A_37 : memref<1x128xi32, #tpu.memory_space<vmem>> -> memref<128xi32, #tpu.memory_space<vmem>>
      %dma_wait3A_39 = tpu.memref_slice %arg3[%add3A_4] : memref<4096xi32, #tpu.memory_space<hbm>> -> memref<128xi32, #tpu.memory_space<hbm>>
      tpu.wait_dma2 semaphore(%run_scoped3A_23 : memref<!tpu.dma_semaphore, #tpu.memory_space<semaphore_mem>>) src(%dma_wait3A_39 : memref<128xi32, #tpu.memory_space<hbm>>) dst(%dma_wait3A_38 : memref<128xi32, #tpu.memory_space<vmem>>)
      tpu.yield
    }) : () -> ()
    %dma_start3A = arith.constant 0 : i32
    %dma_start3A_5 = arith.constant 0 : i32
    %dma_start3A_6 = arith.constant 0 : i32
    %dma_start3A_7 = tpu.memref_slice %arg6[%dma_start3A_5, %dma_start3A_6] : memref<128x128xf32, #tpu.memory_space<vmem>> -> memref<128x128xf32, #tpu.memory_space<vmem>>
    %dma_start3A_8 = arith.constant 0 : i32
    %dma_start3A_9 = tpu.memref_slice %arg5[%dma_start3A, %dma_start3A_8] : memref<1x128xi32, #tpu.memory_space<vmem>> -> memref<1x128xi32, #tpu.memory_space<vmem>>
    %dma_start3A_10 = tpu.memref_squeeze %dma_start3A_9 : memref<1x128xi32, #tpu.memory_space<vmem>> -> memref<128xi32, #tpu.memory_space<vmem>>
    %dma_start3A_11 = arith.constant 0 : i32
    %dma_start3A_12 = arith.constant 0 : i32
    %dma_start3A_13 = tpu.memref_slice %arg2[%dma_start3A_11, %dma_start3A_12] : memref<100000x128xf32, #tpu.memory_space<hbm>> -> memref<100000x128xf32, #tpu.memory_space<hbm>>
    tpu.enqueue_indirect_dma source(%dma_start3A_13 : memref<100000x128xf32, #tpu.memory_space<hbm>>) target(%dma_start3A_7 : memref<128x128xf32, #tpu.memory_space<vmem>>) offsets(%dma_start3A_10 : memref<128xi32, #tpu.memory_space<vmem>>) semaphore(%arg7 : memref<!tpu.dma_semaphore, #tpu.memory_space<semaphore_mem>>)
    %dma_wait3A = arith.constant 0 : i32
    %dma_wait3A_14 = arith.constant 0 : i32
    %dma_wait3A_15 = arith.constant 0 : i32
    %dma_wait3A_16 = tpu.memref_slice %arg6[%dma_wait3A_14, %dma_wait3A_15] : memref<128x128xf32, #tpu.memory_space<vmem>> -> memref<128x128xf32, #tpu.memory_space<vmem>>
    %dma_wait3A_17 = arith.constant 0 : i32
    %dma_wait3A_18 = tpu.memref_slice %arg5[%dma_wait3A, %dma_wait3A_17] : memref<1x128xi32, #tpu.memory_space<vmem>> -> memref<1x128xi32, #tpu.memory_space<vmem>>
    %dma_wait3A_19 = tpu.memref_squeeze %dma_wait3A_18 : memref<1x128xi32, #tpu.memory_space<vmem>> -> memref<128xi32, #tpu.memory_space<vmem>>
    %dma_wait3A_20 = arith.constant 0 : i32
    %dma_wait3A_21 = arith.constant 0 : i32
    %dma_wait3A_22 = tpu.memref_slice %arg2[%dma_wait3A_20, %dma_wait3A_21] : memref<100000x128xf32, #tpu.memory_space<hbm>> -> memref<100000x128xf32, #tpu.memory_space<hbm>>
    tpu.wait_indirect_dma semaphore(%arg7 : memref<!tpu.dma_semaphore, #tpu.memory_space<semaphore_mem>>) src(%dma_wait3A_22 : memref<100000x128xf32, #tpu.memory_space<hbm>>) dst(%dma_wait3A_16 : memref<128x128xf32, #tpu.memory_space<vmem>>)
    "tpu.region"() ({
      %run_scoped3A_23 = tpu.sem_alloc : memref<!tpu.dma_semaphore, #tpu.memory_space<semaphore_mem>>
      %dma_start3A_24 = arith.constant 0 : i32
      %dma_start3A_25 = tpu.memref_slice %arg4[%mul3A_2, %dma_start3A_24] : memref<4096x128xf32, #tpu.memory_space<hbm>> -> memref<128x128xf32, #tpu.memory_space<hbm>>
      %dma_start3A_26 = arith.constant 0 : i32
      %dma_start3A_27 = tpu.memref_slice %arg4[%mul3A_2, %dma_start3A_26] : memref<4096x128xf32, #tpu.memory_space<hbm>> -> memref<128x128xf32, #tpu.memory_space<hbm>>
      tpu.enqueue_dma source(%arg6 : memref<128x128xf32, #tpu.memory_space<vmem>>) target(%dma_start3A_27 : memref<128x128xf32, #tpu.memory_space<hbm>>) target_semaphore(%run_scoped3A_23 : memref<!tpu.dma_semaphore, #tpu.memory_space<semaphore_mem>>)
      %dma_wait3A_28 = arith.constant 0 : i32
      %dma_wait3A_29 = tpu.memref_slice %arg4[%mul3A_2, %dma_wait3A_28] : memref<4096x128xf32, #tpu.memory_space<hbm>> -> memref<128x128xf32, #tpu.memory_space<hbm>>
      %dma_wait3A_30 = arith.constant 0 : i32
      %dma_wait3A_31 = tpu.memref_slice %arg4[%mul3A_2, %dma_wait3A_30] : memref<4096x128xf32, #tpu.memory_space<hbm>> -> memref<128x128xf32, #tpu.memory_space<hbm>>
      tpu.wait_dma2 semaphore(%run_scoped3A_23 : memref<!tpu.dma_semaphore, #tpu.memory_space<semaphore_mem>>) src(%arg6 : memref<128x128xf32, #tpu.memory_space<vmem>>) dst(%dma_wait3A_31 : memref<128x128xf32, #tpu.memory_space<hbm>>)
      tpu.yield
    }) : () -> ()
    return
  }
}

module attributes {stable_mosaic.version = 14 : i64} {
  func.func @_cand_kernel(%arg0: i32, %arg1: memref<1024x50xf32, #tpu.memory_space<vmem>>, %arg2: memref<50x8192xf32, #tpu.memory_space<vmem>>, %arg3: memref<1x1024x4xf32, #tpu.memory_space<vmem>>, %arg4: memref<1x1024x4xi32, #tpu.memory_space<vmem>>) attributes {dimension_semantics = [#tpu.dimension_semantics<arbitrary>], iteration_bounds = array<i64: 13>, scalar_prefetch = 0 : i64, scratch_operands = 0 : i64, tpu.core_type = #tpu.core_type<tc>, window_params = [{pipeline_mode = #tpu.pipeline_mode<synchronous>, transform_indices = @transform_0, window_bounds = array<i64: 1024, 50>}, {transform_indices = @transform_1, window_bounds = array<i64: 50, 8192>}, {transform_indices = @transform_2, window_bounds = array<i64: 1, 1024, 4>}, {transform_indices = @transform_3, window_bounds = array<i64: 1, 1024, 4>}]} {
    %get3A = arith.constant 0 : index
    %get3A_0 = arith.constant 0 : index
    %get3A_1 = vector.load %arg1[%get3A, %get3A_0] : memref<1024x50xf32, #tpu.memory_space<vmem>>, vector<1024x50xf32>
    %get3A_2 = arith.constant 0 : index
    %get3A_3 = arith.constant 0 : index
    %get3A_4 = vector.load %arg2[%get3A_2, %get3A_3] : memref<50x8192xf32, #tpu.memory_space<vmem>>, vector<50x8192xf32>
    %mul3A = arith.mulf %get3A_4, %get3A_4 : vector<50x8192xf32>
    %reduce_sum3A = arith.constant dense<0.000000e+00> : vector<8192xf32>
    %reduce_sum3A_5 = vector.multi_reduction <add>, %mul3A, %reduce_sum3A [0] : vector<50x8192xf32> to vector<8192xf32>
    %broadcast_in_dim3A = vector.shape_cast %reduce_sum3A_5 : vector<8192xf32> to vector<1x8192xf32>
    %dot_general3A = arith.constant dense<0.000000e+00> : vector<1024x8192xf32>
    %dot_general3A_6 = tpu.matmul %get3A_1, %get3A_4, %dot_general3A {dimension_numbers = #tpu.dot_dimension_numbers<[1], [0], [0], [1], [0, 0, 1, 1], [], []>, transpose_lhs_hint = false} : vector<1024x50xf32>, vector<50x8192xf32>, vector<1024x8192xf32> -> vector<1024x8192xf32>
    %mul3A_7 = arith.constant 2.000000e+00 : f32
    %mul3A_8 = vector.broadcast %mul3A_7 : f32 to vector<1024x8192xf32>
    %mul3A_9 = arith.mulf %mul3A_8, %dot_general3A_6 : vector<1024x8192xf32>
    %sub3A = vector.broadcast %broadcast_in_dim3A : vector<1x8192xf32> to vector<1024x8192xf32>
    %sub3A_10 = arith.subf %sub3A, %mul3A_9 : vector<1024x8192xf32>
    %iota3A = tpu.iota {dimensions = array<i32: 1>} : vector<1x128xi32>
    %slice3A = vector.extract_strided_slice %sub3A_10 {offsets = [0, 0], sizes = [1024, 128], strides = [1, 1]} : vector<1024x8192xf32> to vector<1024x128xf32>
    %add3A = arith.constant 0 : i32
    %add3A_11 = vector.broadcast %add3A : i32 to vector<1x128xi32>
    %add3A_12 = arith.addi %iota3A, %add3A_11 : vector<1x128xi32>
    %slice3A_13 = vector.extract_strided_slice %sub3A_10 {offsets = [0, 128], sizes = [1024, 128], strides = [1, 1]} : vector<1024x8192xf32> to vector<1024x128xf32>
    %add3A_14 = arith.constant 128 : i32
    %add3A_15 = vector.broadcast %add3A_14 : i32 to vector<1x128xi32>
    %add3A_16 = arith.addi %iota3A, %add3A_15 : vector<1x128xi32>
    %slice3A_17 = vector.extract_strided_slice %sub3A_10 {offsets = [0, 256], sizes = [1024, 128], strides = [1, 1]} : vector<1024x8192xf32> to vector<1024x128xf32>
    %add3A_18 = arith.constant 256 : i32
    %add3A_19 = vector.broadcast %add3A_18 : i32 to vector<1x128xi32>
    %add3A_20 = arith.addi %iota3A, %add3A_19 : vector<1x128xi32>
    %slice3A_21 = vector.extract_strided_slice %sub3A_10 {offsets = [0, 384], sizes = [1024, 128], strides = [1, 1]} : vector<1024x8192xf32> to vector<1024x128xf32>
    %add3A_22 = arith.constant 384 : i32
    %add3A_23 = vector.broadcast %add3A_22 : i32 to vector<1x128xi32>
    %add3A_24 = arith.addi %iota3A, %add3A_23 : vector<1x128xi32>
    %slice3A_25 = vector.extract_strided_slice %sub3A_10 {offsets = [0, 512], sizes = [1024, 128], strides = [1, 1]} : vector<1024x8192xf32> to vector<1024x128xf32>
    %add3A_26 = arith.constant 512 : i32
    %add3A_27 = vector.broadcast %add3A_26 : i32 to vector<1x128xi32>
    %add3A_28 = arith.addi %iota3A, %add3A_27 : vector<1x128xi32>
    %slice3A_29 = vector.extract_strided_slice %sub3A_10 {offsets = [0, 640], sizes = [1024, 128], strides = [1, 1]} : vector<1024x8192xf32> to vector<1024x128xf32>
    %add3A_30 = arith.constant 640 : i32
    %add3A_31 = vector.broadcast %add3A_30 : i32 to vector<1x128xi32>
    %add3A_32 = arith.addi %iota3A, %add3A_31 : vector<1x128xi32>
    %slice3A_33 = vector.extract_strided_slice %sub3A_10 {offsets = [0, 768], sizes = [1024, 128], strides = [1, 1]} : vector<1024x8192xf32> to vector<1024x128xf32>
    %add3A_34 = arith.constant 768 : i32
    %add3A_35 = vector.broadcast %add3A_34 : i32 to vector<1x128xi32>
    %add3A_36 = arith.addi %iota3A, %add3A_35 : vector<1x128xi32>
    %slice3A_37 = vector.extract_strided_slice %sub3A_10 {offsets = [0, 896], sizes = [1024, 128], strides = [1, 1]} : vector<1024x8192xf32> to vector<1024x128xf32>
    %add3A_38 = arith.constant 896 : i32
    %add3A_39 = vector.broadcast %add3A_38 : i32 to vector<1x128xi32>
    %add3A_40 = arith.addi %iota3A, %add3A_39 : vector<1x128xi32>
    %slice3A_41 = vector.extract_strided_slice %sub3A_10 {offsets = [0, 1024], sizes = [1024, 128], strides = [1, 1]} : vector<1024x8192xf32> to vector<1024x128xf32>
    %add3A_42 = arith.constant 1024 : i32
    %add3A_43 = vector.broadcast %add3A_42 : i32 to vector<1x128xi32>
    %add3A_44 = arith.addi %iota3A, %add3A_43 : vector<1x128xi32>
    %slice3A_45 = vector.extract_strided_slice %sub3A_10 {offsets = [0, 1152], sizes = [1024, 128], strides = [1, 1]} : vector<1024x8192xf32> to vector<1024x128xf32>
    %add3A_46 = arith.constant 1152 : i32
    %add3A_47 = vector.broadcast %add3A_46 : i32 to vector<1x128xi32>
    %add3A_48 = arith.addi %iota3A, %add3A_47 : vector<1x128xi32>
    %slice3A_49 = vector.extract_strided_slice %sub3A_10 {offsets = [0, 1280], sizes = [1024, 128], strides = [1, 1]} : vector<1024x8192xf32> to vector<1024x128xf32>
    %add3A_50 = arith.constant 1280 : i32
    %add3A_51 = vector.broadcast %add3A_50 : i32 to vector<1x128xi32>
    %add3A_52 = arith.addi %iota3A, %add3A_51 : vector<1x128xi32>
    %slice3A_53 = vector.extract_strided_slice %sub3A_10 {offsets = [0, 1408], sizes = [1024, 128], strides = [1, 1]} : vector<1024x8192xf32> to vector<1024x128xf32>
    %add3A_54 = arith.constant 1408 : i32
    %add3A_55 = vector.broadcast %add3A_54 : i32 to vector<1x128xi32>
    %add3A_56 = arith.addi %iota3A, %add3A_55 : vector<1x128xi32>
    %slice3A_57 = vector.extract_strided_slice %sub3A_10 {offsets = [0, 1536], sizes = [1024, 128], strides = [1, 1]} : vector<1024x8192xf32> to vector<1024x128xf32>
    %add3A_58 = arith.constant 1536 : i32
    %add3A_59 = vector.broadcast %add3A_58 : i32 to vector<1x128xi32>
    %add3A_60 = arith.addi %iota3A, %add3A_59 : vector<1x128xi32>
    %slice3A_61 = vector.extract_strided_slice %sub3A_10 {offsets = [0, 1664], sizes = [1024, 128], strides = [1, 1]} : vector<1024x8192xf32> to vector<1024x128xf32>
    %add3A_62 = arith.constant 1664 : i32
    %add3A_63 = vector.broadcast %add3A_62 : i32 to vector<1x128xi32>
    %add3A_64 = arith.addi %iota3A, %add3A_63 : vector<1x128xi32>
    %slice3A_65 = vector.extract_strided_slice %sub3A_10 {offsets = [0, 1792], sizes = [1024, 128], strides = [1, 1]} : vector<1024x8192xf32> to vector<1024x128xf32>
    %add3A_66 = arith.constant 1792 : i32
    %add3A_67 = vector.broadcast %add3A_66 : i32 to vector<1x128xi32>
    %add3A_68 = arith.addi %iota3A, %add3A_67 : vector<1x128xi32>
    %slice3A_69 = vector.extract_strided_slice %sub3A_10 {offsets = [0, 1920], sizes = [1024, 128], strides = [1, 1]} : vector<1024x8192xf32> to vector<1024x128xf32>
    %add3A_70 = arith.constant 1920 : i32
    %add3A_71 = vector.broadcast %add3A_70 : i32 to vector<1x128xi32>
    %add3A_72 = arith.addi %iota3A, %add3A_71 : vector<1x128xi32>
    %slice3A_73 = vector.extract_strided_slice %sub3A_10 {offsets = [0, 2048], sizes = [1024, 128], strides = [1, 1]} : vector<1024x8192xf32> to vector<1024x128xf32>
    %add3A_74 = arith.constant 2048 : i32
    %add3A_75 = vector.broadcast %add3A_74 : i32 to vector<1x128xi32>
    %add3A_76 = arith.addi %iota3A, %add3A_75 : vector<1x128xi32>
    %slice3A_77 = vector.extract_strided_slice %sub3A_10 {offsets = [0, 2176], sizes = [1024, 128], strides = [1, 1]} : vector<1024x8192xf32> to vector<1024x128xf32>
    %add3A_78 = arith.constant 2176 : i32
    %add3A_79 = vector.broadcast %add3A_78 : i32 to vector<1x128xi32>
    %add3A_80 = arith.addi %iota3A, %add3A_79 : vector<1x128xi32>
    %slice3A_81 = vector.extract_strided_slice %sub3A_10 {offsets = [0, 2304], sizes = [1024, 128], strides = [1, 1]} : vector<1024x8192xf32> to vector<1024x128xf32>
    %add3A_82 = arith.constant 2304 : i32
    %add3A_83 = vector.broadcast %add3A_82 : i32 to vector<1x128xi32>
    %add3A_84 = arith.addi %iota3A, %add3A_83 : vector<1x128xi32>
    %slice3A_85 = vector.extract_strided_slice %sub3A_10 {offsets = [0, 2432], sizes = [1024, 128], strides = [1, 1]} : vector<1024x8192xf32> to vector<1024x128xf32>
    %add3A_86 = arith.constant 2432 : i32
    %add3A_87 = vector.broadcast %add3A_86 : i32 to vector<1x128xi32>
    %add3A_88 = arith.addi %iota3A, %add3A_87 : vector<1x128xi32>
    %slice3A_89 = vector.extract_strided_slice %sub3A_10 {offsets = [0, 2560], sizes = [1024, 128], strides = [1, 1]} : vector<1024x8192xf32> to vector<1024x128xf32>
    %add3A_90 = arith.constant 2560 : i32
    %add3A_91 = vector.broadcast %add3A_90 : i32 to vector<1x128xi32>
    %add3A_92 = arith.addi %iota3A, %add3A_91 : vector<1x128xi32>
    %slice3A_93 = vector.extract_strided_slice %sub3A_10 {offsets = [0, 2688], sizes = [1024, 128], strides = [1, 1]} : vector<1024x8192xf32> to vector<1024x128xf32>
    %add3A_94 = arith.constant 2688 : i32
    %add3A_95 = vector.broadcast %add3A_94 : i32 to vector<1x128xi32>
    %add3A_96 = arith.addi %iota3A, %add3A_95 : vector<1x128xi32>
    %slice3A_97 = vector.extract_strided_slice %sub3A_10 {offsets = [0, 2816], sizes = [1024, 128], strides = [1, 1]} : vector<1024x8192xf32> to vector<1024x128xf32>
    %add3A_98 = arith.constant 2816 : i32
    %add3A_99 = vector.broadcast %add3A_98 : i32 to vector<1x128xi32>
    %add3A_100 = arith.addi %iota3A, %add3A_99 : vector<1x128xi32>
    %slice3A_101 = vector.extract_strided_slice %sub3A_10 {offsets = [0, 2944], sizes = [1024, 128], strides = [1, 1]} : vector<1024x8192xf32> to vector<1024x128xf32>
    %add3A_102 = arith.constant 2944 : i32
    %add3A_103 = vector.broadcast %add3A_102 : i32 to vector<1x128xi32>
    %add3A_104 = arith.addi %iota3A, %add3A_103 : vector<1x128xi32>
    %slice3A_105 = vector.extract_strided_slice %sub3A_10 {offsets = [0, 3072], sizes = [1024, 128], strides = [1, 1]} : vector<1024x8192xf32> to vector<1024x128xf32>
    %add3A_106 = arith.constant 3072 : i32
    %add3A_107 = vector.broadcast %add3A_106 : i32 to vector<1x128xi32>
    %add3A_108 = arith.addi %iota3A, %add3A_107 : vector<1x128xi32>
    %slice3A_109 = vector.extract_strided_slice %sub3A_10 {offsets = [0, 3200], sizes = [1024, 128], strides = [1, 1]} : vector<1024x8192xf32> to vector<1024x128xf32>
    %add3A_110 = arith.constant 3200 : i32
    %add3A_111 = vector.broadcast %add3A_110 : i32 to vector<1x128xi32>
    %add3A_112 = arith.addi %iota3A, %add3A_111 : vector<1x128xi32>
    %slice3A_113 = vector.extract_strided_slice %sub3A_10 {offsets = [0, 3328], sizes = [1024, 128], strides = [1, 1]} : vector<1024x8192xf32> to vector<1024x128xf32>
    %add3A_114 = arith.constant 3328 : i32
    %add3A_115 = vector.broadcast %add3A_114 : i32 to vector<1x128xi32>
    %add3A_116 = arith.addi %iota3A, %add3A_115 : vector<1x128xi32>
    %slice3A_117 = vector.extract_strided_slice %sub3A_10 {offsets = [0, 3456], sizes = [1024, 128], strides = [1, 1]} : vector<1024x8192xf32> to vector<1024x128xf32>
    %add3A_118 = arith.constant 3456 : i32
    %add3A_119 = vector.broadcast %add3A_118 : i32 to vector<1x128xi32>
    %add3A_120 = arith.addi %iota3A, %add3A_119 : vector<1x128xi32>
    %slice3A_121 = vector.extract_strided_slice %sub3A_10 {offsets = [0, 3584], sizes = [1024, 128], strides = [1, 1]} : vector<1024x8192xf32> to vector<1024x128xf32>
    %add3A_122 = arith.constant 3584 : i32
    %add3A_123 = vector.broadcast %add3A_122 : i32 to vector<1x128xi32>
    %add3A_124 = arith.addi %iota3A, %add3A_123 : vector<1x128xi32>
    %slice3A_125 = vector.extract_strided_slice %sub3A_10 {offsets = [0, 3712], sizes = [1024, 128], strides = [1, 1]} : vector<1024x8192xf32> to vector<1024x128xf32>
    %add3A_126 = arith.constant 3712 : i32
    %add3A_127 = vector.broadcast %add3A_126 : i32 to vector<1x128xi32>
    %add3A_128 = arith.addi %iota3A, %add3A_127 : vector<1x128xi32>
    %slice3A_129 = vector.extract_strided_slice %sub3A_10 {offsets = [0, 3840], sizes = [1024, 128], strides = [1, 1]} : vector<1024x8192xf32> to vector<1024x128xf32>
    %add3A_130 = arith.constant 3840 : i32
    %add3A_131 = vector.broadcast %add3A_130 : i32 to vector<1x128xi32>
    %add3A_132 = arith.addi %iota3A, %add3A_131 : vector<1x128xi32>
    %slice3A_133 = vector.extract_strided_slice %sub3A_10 {offsets = [0, 3968], sizes = [1024, 128], strides = [1, 1]} : vector<1024x8192xf32> to vector<1024x128xf32>
    %add3A_134 = arith.constant 3968 : i32
    %add3A_135 = vector.broadcast %add3A_134 : i32 to vector<1x128xi32>
    %add3A_136 = arith.addi %iota3A, %add3A_135 : vector<1x128xi32>
    %slice3A_137 = vector.extract_strided_slice %sub3A_10 {offsets = [0, 4096], sizes = [1024, 128], strides = [1, 1]} : vector<1024x8192xf32> to vector<1024x128xf32>
    %add3A_138 = arith.constant 4096 : i32
    %add3A_139 = vector.broadcast %add3A_138 : i32 to vector<1x128xi32>
    %add3A_140 = arith.addi %iota3A, %add3A_139 : vector<1x128xi32>
    %slice3A_141 = vector.extract_strided_slice %sub3A_10 {offsets = [0, 4224], sizes = [1024, 128], strides = [1, 1]} : vector<1024x8192xf32> to vector<1024x128xf32>
    %add3A_142 = arith.constant 4224 : i32
    %add3A_143 = vector.broadcast %add3A_142 : i32 to vector<1x128xi32>
    %add3A_144 = arith.addi %iota3A, %add3A_143 : vector<1x128xi32>
    %slice3A_145 = vector.extract_strided_slice %sub3A_10 {offsets = [0, 4352], sizes = [1024, 128], strides = [1, 1]} : vector<1024x8192xf32> to vector<1024x128xf32>
    %add3A_146 = arith.constant 4352 : i32
    %add3A_147 = vector.broadcast %add3A_146 : i32 to vector<1x128xi32>
    %add3A_148 = arith.addi %iota3A, %add3A_147 : vector<1x128xi32>
    %slice3A_149 = vector.extract_strided_slice %sub3A_10 {offsets = [0, 4480], sizes = [1024, 128], strides = [1, 1]} : vector<1024x8192xf32> to vector<1024x128xf32>
    %add3A_150 = arith.constant 4480 : i32
    %add3A_151 = vector.broadcast %add3A_150 : i32 to vector<1x128xi32>
    %add3A_152 = arith.addi %iota3A, %add3A_151 : vector<1x128xi32>
    %slice3A_153 = vector.extract_strided_slice %sub3A_10 {offsets = [0, 4608], sizes = [1024, 128], strides = [1, 1]} : vector<1024x8192xf32> to vector<1024x128xf32>
    %add3A_154 = arith.constant 4608 : i32
    %add3A_155 = vector.broadcast %add3A_154 : i32 to vector<1x128xi32>
    %add3A_156 = arith.addi %iota3A, %add3A_155 : vector<1x128xi32>
    %slice3A_157 = vector.extract_strided_slice %sub3A_10 {offsets = [0, 4736], sizes = [1024, 128], strides = [1, 1]} : vector<1024x8192xf32> to vector<1024x128xf32>
    %add3A_158 = arith.constant 4736 : i32
    %add3A_159 = vector.broadcast %add3A_158 : i32 to vector<1x128xi32>
    %add3A_160 = arith.addi %iota3A, %add3A_159 : vector<1x128xi32>
    %slice3A_161 = vector.extract_strided_slice %sub3A_10 {offsets = [0, 4864], sizes = [1024, 128], strides = [1, 1]} : vector<1024x8192xf32> to vector<1024x128xf32>
    %add3A_162 = arith.constant 4864 : i32
    %add3A_163 = vector.broadcast %add3A_162 : i32 to vector<1x128xi32>
    %add3A_164 = arith.addi %iota3A, %add3A_163 : vector<1x128xi32>
    %slice3A_165 = vector.extract_strided_slice %sub3A_10 {offsets = [0, 4992], sizes = [1024, 128], strides = [1, 1]} : vector<1024x8192xf32> to vector<1024x128xf32>
    %add3A_166 = arith.constant 4992 : i32
    %add3A_167 = vector.broadcast %add3A_166 : i32 to vector<1x128xi32>
    %add3A_168 = arith.addi %iota3A, %add3A_167 : vector<1x128xi32>
    %slice3A_169 = vector.extract_strided_slice %sub3A_10 {offsets = [0, 5120], sizes = [1024, 128], strides = [1, 1]} : vector<1024x8192xf32> to vector<1024x128xf32>
    %add3A_170 = arith.constant 5120 : i32
    %add3A_171 = vector.broadcast %add3A_170 : i32 to vector<1x128xi32>
    %add3A_172 = arith.addi %iota3A, %add3A_171 : vector<1x128xi32>
    %slice3A_173 = vector.extract_strided_slice %sub3A_10 {offsets = [0, 5248], sizes = [1024, 128], strides = [1, 1]} : vector<1024x8192xf32> to vector<1024x128xf32>
    %add3A_174 = arith.constant 5248 : i32
    %add3A_175 = vector.broadcast %add3A_174 : i32 to vector<1x128xi32>
    %add3A_176 = arith.addi %iota3A, %add3A_175 : vector<1x128xi32>
    %slice3A_177 = vector.extract_strided_slice %sub3A_10 {offsets = [0, 5376], sizes = [1024, 128], strides = [1, 1]} : vector<1024x8192xf32> to vector<1024x128xf32>
    %add3A_178 = arith.constant 5376 : i32
    %add3A_179 = vector.broadcast %add3A_178 : i32 to vector<1x128xi32>
    %add3A_180 = arith.addi %iota3A, %add3A_179 : vector<1x128xi32>
    %slice3A_181 = vector.extract_strided_slice %sub3A_10 {offsets = [0, 5504], sizes = [1024, 128], strides = [1, 1]} : vector<1024x8192xf32> to vector<1024x128xf32>
    %add3A_182 = arith.constant 5504 : i32
    %add3A_183 = vector.broadcast %add3A_182 : i32 to vector<1x128xi32>
    %add3A_184 = arith.addi %iota3A, %add3A_183 : vector<1x128xi32>
    %slice3A_185 = vector.extract_strided_slice %sub3A_10 {offsets = [0, 5632], sizes = [1024, 128], strides = [1, 1]} : vector<1024x8192xf32> to vector<1024x128xf32>
    %add3A_186 = arith.constant 5632 : i32
    %add3A_187 = vector.broadcast %add3A_186 : i32 to vector<1x128xi32>
    %add3A_188 = arith.addi %iota3A, %add3A_187 : vector<1x128xi32>
    %slice3A_189 = vector.extract_strided_slice %sub3A_10 {offsets = [0, 5760], sizes = [1024, 128], strides = [1, 1]} : vector<1024x8192xf32> to vector<1024x128xf32>
    %add3A_190 = arith.constant 5760 : i32
    %add3A_191 = vector.broadcast %add3A_190 : i32 to vector<1x128xi32>
    %add3A_192 = arith.addi %iota3A, %add3A_191 : vector<1x128xi32>
    %slice3A_193 = vector.extract_strided_slice %sub3A_10 {offsets = [0, 5888], sizes = [1024, 128], strides = [1, 1]} : vector<1024x8192xf32> to vector<1024x128xf32>
    %add3A_194 = arith.constant 5888 : i32
    %add3A_195 = vector.broadcast %add3A_194 : i32 to vector<1x128xi32>
    %add3A_196 = arith.addi %iota3A, %add3A_195 : vector<1x128xi32>
    %slice3A_197 = vector.extract_strided_slice %sub3A_10 {offsets = [0, 6016], sizes = [1024, 128], strides = [1, 1]} : vector<1024x8192xf32> to vector<1024x128xf32>
    %add3A_198 = arith.constant 6016 : i32
    %add3A_199 = vector.broadcast %add3A_198 : i32 to vector<1x128xi32>
    %add3A_200 = arith.addi %iota3A, %add3A_199 : vector<1x128xi32>
    %slice3A_201 = vector.extract_strided_slice %sub3A_10 {offsets = [0, 6144], sizes = [1024, 128], strides = [1, 1]} : vector<1024x8192xf32> to vector<1024x128xf32>
    %add3A_202 = arith.constant 6144 : i32
    %add3A_203 = vector.broadcast %add3A_202 : i32 to vector<1x128xi32>
    %add3A_204 = arith.addi %iota3A, %add3A_203 : vector<1x128xi32>
    %slice3A_205 = vector.extract_strided_slice %sub3A_10 {offsets = [0, 6272], sizes = [1024, 128], strides = [1, 1]} : vector<1024x8192xf32> to vector<1024x128xf32>
    %add3A_206 = arith.constant 6272 : i32
    %add3A_207 = vector.broadcast %add3A_206 : i32 to vector<1x128xi32>
    %add3A_208 = arith.addi %iota3A, %add3A_207 : vector<1x128xi32>
    %slice3A_209 = vector.extract_strided_slice %sub3A_10 {offsets = [0, 6400], sizes = [1024, 128], strides = [1, 1]} : vector<1024x8192xf32> to vector<1024x128xf32>
    %add3A_210 = arith.constant 6400 : i32
    %add3A_211 = vector.broadcast %add3A_210 : i32 to vector<1x128xi32>
    %add3A_212 = arith.addi %iota3A, %add3A_211 : vector<1x128xi32>
    %slice3A_213 = vector.extract_strided_slice %sub3A_10 {offsets = [0, 6528], sizes = [1024, 128], strides = [1, 1]} : vector<1024x8192xf32> to vector<1024x128xf32>
    %add3A_214 = arith.constant 6528 : i32
    %add3A_215 = vector.broadcast %add3A_214 : i32 to vector<1x128xi32>
    %add3A_216 = arith.addi %iota3A, %add3A_215 : vector<1x128xi32>
    %slice3A_217 = vector.extract_strided_slice %sub3A_10 {offsets = [0, 6656], sizes = [1024, 128], strides = [1, 1]} : vector<1024x8192xf32> to vector<1024x128xf32>
    %add3A_218 = arith.constant 6656 : i32
    %add3A_219 = vector.broadcast %add3A_218 : i32 to vector<1x128xi32>
    %add3A_220 = arith.addi %iota3A, %add3A_219 : vector<1x128xi32>
    %slice3A_221 = vector.extract_strided_slice %sub3A_10 {offsets = [0, 6784], sizes = [1024, 128], strides = [1, 1]} : vector<1024x8192xf32> to vector<1024x128xf32>
    %add3A_222 = arith.constant 6784 : i32
    %add3A_223 = vector.broadcast %add3A_222 : i32 to vector<1x128xi32>
    %add3A_224 = arith.addi %iota3A, %add3A_223 : vector<1x128xi32>
    %slice3A_225 = vector.extract_strided_slice %sub3A_10 {offsets = [0, 6912], sizes = [1024, 128], strides = [1, 1]} : vector<1024x8192xf32> to vector<1024x128xf32>
    %add3A_226 = arith.constant 6912 : i32
    %add3A_227 = vector.broadcast %add3A_226 : i32 to vector<1x128xi32>
    %add3A_228 = arith.addi %iota3A, %add3A_227 : vector<1x128xi32>
    %slice3A_229 = vector.extract_strided_slice %sub3A_10 {offsets = [0, 7040], sizes = [1024, 128], strides = [1, 1]} : vector<1024x8192xf32> to vector<1024x128xf32>
    %add3A_230 = arith.constant 7040 : i32
    %add3A_231 = vector.broadcast %add3A_230 : i32 to vector<1x128xi32>
    %add3A_232 = arith.addi %iota3A, %add3A_231 : vector<1x128xi32>
    %slice3A_233 = vector.extract_strided_slice %sub3A_10 {offsets = [0, 7168], sizes = [1024, 128], strides = [1, 1]} : vector<1024x8192xf32> to vector<1024x128xf32>
    %add3A_234 = arith.constant 7168 : i32
    %add3A_235 = vector.broadcast %add3A_234 : i32 to vector<1x128xi32>
    %add3A_236 = arith.addi %iota3A, %add3A_235 : vector<1x128xi32>
    %slice3A_237 = vector.extract_strided_slice %sub3A_10 {offsets = [0, 7296], sizes = [1024, 128], strides = [1, 1]} : vector<1024x8192xf32> to vector<1024x128xf32>
    %add3A_238 = arith.constant 7296 : i32
    %add3A_239 = vector.broadcast %add3A_238 : i32 to vector<1x128xi32>
    %add3A_240 = arith.addi %iota3A, %add3A_239 : vector<1x128xi32>
    %slice3A_241 = vector.extract_strided_slice %sub3A_10 {offsets = [0, 7424], sizes = [1024, 128], strides = [1, 1]} : vector<1024x8192xf32> to vector<1024x128xf32>
    %add3A_242 = arith.constant 7424 : i32
    %add3A_243 = vector.broadcast %add3A_242 : i32 to vector<1x128xi32>
    %add3A_244 = arith.addi %iota3A, %add3A_243 : vector<1x128xi32>
    %slice3A_245 = vector.extract_strided_slice %sub3A_10 {offsets = [0, 7552], sizes = [1024, 128], strides = [1, 1]} : vector<1024x8192xf32> to vector<1024x128xf32>
    %add3A_246 = arith.constant 7552 : i32
    %add3A_247 = vector.broadcast %add3A_246 : i32 to vector<1x128xi32>
    %add3A_248 = arith.addi %iota3A, %add3A_247 : vector<1x128xi32>
    %slice3A_249 = vector.extract_strided_slice %sub3A_10 {offsets = [0, 7680], sizes = [1024, 128], strides = [1, 1]} : vector<1024x8192xf32> to vector<1024x128xf32>
    %add3A_250 = arith.constant 7680 : i32
    %add3A_251 = vector.broadcast %add3A_250 : i32 to vector<1x128xi32>
    %add3A_252 = arith.addi %iota3A, %add3A_251 : vector<1x128xi32>
    %slice3A_253 = vector.extract_strided_slice %sub3A_10 {offsets = [0, 7808], sizes = [1024, 128], strides = [1, 1]} : vector<1024x8192xf32> to vector<1024x128xf32>
    %add3A_254 = arith.constant 7808 : i32
    %add3A_255 = vector.broadcast %add3A_254 : i32 to vector<1x128xi32>
    %add3A_256 = arith.addi %iota3A, %add3A_255 : vector<1x128xi32>
    %slice3A_257 = vector.extract_strided_slice %sub3A_10 {offsets = [0, 7936], sizes = [1024, 128], strides = [1, 1]} : vector<1024x8192xf32> to vector<1024x128xf32>
    %add3A_258 = arith.constant 7936 : i32
    %add3A_259 = vector.broadcast %add3A_258 : i32 to vector<1x128xi32>
    %add3A_260 = arith.addi %iota3A, %add3A_259 : vector<1x128xi32>
    %slice3A_261 = vector.extract_strided_slice %sub3A_10 {offsets = [0, 8064], sizes = [1024, 128], strides = [1, 1]} : vector<1024x8192xf32> to vector<1024x128xf32>
    %add3A_262 = arith.constant 8064 : i32
    %add3A_263 = vector.broadcast %add3A_262 : i32 to vector<1x128xi32>
    %add3A_264 = arith.addi %iota3A, %add3A_263 : vector<1x128xi32>
    %le3A = arith.cmpf ole, %slice3A, %slice3A_13 : vector<1024x128xf32>
    %min3A = arith.minimumf %slice3A, %slice3A_13 : vector<1024x128xf32>
    %broadcast_in_dim3A_265 = vector.shape_cast %add3A_12 : vector<1x128xi32> to vector<1x128xi32>
    %broadcast_in_dim3A_266 = vector.broadcast %broadcast_in_dim3A_265 : vector<1x128xi32> to vector<1024x128xi32>
    %broadcast_in_dim3A_267 = vector.shape_cast %add3A_16 : vector<1x128xi32> to vector<1x128xi32>
    %broadcast_in_dim3A_268 = vector.broadcast %broadcast_in_dim3A_267 : vector<1x128xi32> to vector<1024x128xi32>
    %select_n3A = arith.select %le3A, %broadcast_in_dim3A_266, %broadcast_in_dim3A_268 : vector<1024x128xi1>, vector<1024x128xi32>
    %max3A = arith.maximumf %slice3A, %slice3A_13 : vector<1024x128xf32>
    %broadcast_in_dim3A_269 = vector.shape_cast %add3A_16 : vector<1x128xi32> to vector<1x128xi32>
    %broadcast_in_dim3A_270 = vector.broadcast %broadcast_in_dim3A_269 : vector<1x128xi32> to vector<1024x128xi32>
    %broadcast_in_dim3A_271 = vector.shape_cast %add3A_12 : vector<1x128xi32> to vector<1x128xi32>
    %broadcast_in_dim3A_272 = vector.broadcast %broadcast_in_dim3A_271 : vector<1x128xi32> to vector<1024x128xi32>
    %select_n3A_273 = arith.select %le3A, %broadcast_in_dim3A_270, %broadcast_in_dim3A_272 : vector<1024x128xi1>, vector<1024x128xi32>
    %le3A_274 = arith.cmpf ole, %slice3A_17, %slice3A_21 : vector<1024x128xf32>
    %min3A_275 = arith.minimumf %slice3A_17, %slice3A_21 : vector<1024x128xf32>
    %broadcast_in_dim3A_276 = vector.shape_cast %add3A_20 : vector<1x128xi32> to vector<1x128xi32>
    %broadcast_in_dim3A_277 = vector.broadcast %broadcast_in_dim3A_276 : vector<1x128xi32> to vector<1024x128xi32>
    %broadcast_in_dim3A_278 = vector.shape_cast %add3A_24 : vector<1x128xi32> to vector<1x128xi32>
    %broadcast_in_dim3A_279 = vector.broadcast %broadcast_in_dim3A_278 : vector<1x128xi32> to vector<1024x128xi32>
    %select_n3A_280 = arith.select %le3A_274, %broadcast_in_dim3A_277, %broadcast_in_dim3A_279 : vector<1024x128xi1>, vector<1024x128xi32>
    %max3A_281 = arith.maximumf %slice3A_17, %slice3A_21 : vector<1024x128xf32>
    %broadcast_in_dim3A_282 = vector.shape_cast %add3A_24 : vector<1x128xi32> to vector<1x128xi32>
    %broadcast_in_dim3A_283 = vector.broadcast %broadcast_in_dim3A_282 : vector<1x128xi32> to vector<1024x128xi32>
    %broadcast_in_dim3A_284 = vector.shape_cast %add3A_20 : vector<1x128xi32> to vector<1x128xi32>
    %broadcast_in_dim3A_285 = vector.broadcast %broadcast_in_dim3A_284 : vector<1x128xi32> to vector<1024x128xi32>
    %select_n3A_286 = arith.select %le3A_274, %broadcast_in_dim3A_283, %broadcast_in_dim3A_285 : vector<1024x128xi1>, vector<1024x128xi32>
    %le3A_287 = arith.cmpf ole, %slice3A_25, %slice3A_29 : vector<1024x128xf32>
    %min3A_288 = arith.minimumf %slice3A_25, %slice3A_29 : vector<1024x128xf32>
    %broadcast_in_dim3A_289 = vector.shape_cast %add3A_28 : vector<1x128xi32> to vector<1x128xi32>
    %broadcast_in_dim3A_290 = vector.broadcast %broadcast_in_dim3A_289 : vector<1x128xi32> to vector<1024x128xi32>
    %broadcast_in_dim3A_291 = vector.shape_cast %add3A_32 : vector<1x128xi32> to vector<1x128xi32>
    %broadcast_in_dim3A_292 = vector.broadcast %broadcast_in_dim3A_291 : vector<1x128xi32> to vector<1024x128xi32>
    %select_n3A_293 = arith.select %le3A_287, %broadcast_in_dim3A_290, %broadcast_in_dim3A_292 : vector<1024x128xi1>, vector<1024x128xi32>
    %max3A_294 = arith.maximumf %slice3A_25, %slice3A_29 : vector<1024x128xf32>
    %broadcast_in_dim3A_295 = vector.shape_cast %add3A_32 : vector<1x128xi32> to vector<1x128xi32>
    %broadcast_in_dim3A_296 = vector.broadcast %broadcast_in_dim3A_295 : vector<1x128xi32> to vector<1024x128xi32>
    %broadcast_in_dim3A_297 = vector.shape_cast %add3A_28 : vector<1x128xi32> to vector<1x128xi32>
    %broadcast_in_dim3A_298 = vector.broadcast %broadcast_in_dim3A_297 : vector<1x128xi32> to vector<1024x128xi32>
    %select_n3A_299 = arith.select %le3A_287, %broadcast_in_dim3A_296, %broadcast_in_dim3A_298 : vector<1024x128xi1>, vector<1024x128xi32>
    %le3A_300 = arith.cmpf ole, %slice3A_33, %slice3A_37 : vector<1024x128xf32>
    %min3A_301 = arith.minimumf %slice3A_33, %slice3A_37 : vector<1024x128xf32>
    %broadcast_in_dim3A_302 = vector.shape_cast %add3A_36 : vector<1x128xi32> to vector<1x128xi32>
    %broadcast_in_dim3A_303 = vector.broadcast %broadcast_in_dim3A_302 : vector<1x128xi32> to vector<1024x128xi32>
    %broadcast_in_dim3A_304 = vector.shape_cast %add3A_40 : vector<1x128xi32> to vector<1x128xi32>
    %broadcast_in_dim3A_305 = vector.broadcast %broadcast_in_dim3A_304 : vector<1x128xi32> to vector<1024x128xi32>
    %select_n3A_306 = arith.select %le3A_300, %broadcast_in_dim3A_303, %broadcast_in_dim3A_305 : vector<1024x128xi1>, vector<1024x128xi32>
    %max3A_307 = arith.maximumf %slice3A_33, %slice3A_37 : vector<1024x128xf32>
    %broadcast_in_dim3A_308 = vector.shape_cast %add3A_40 : vector<1x128xi32> to vector<1x128xi32>
    %broadcast_in_dim3A_309 = vector.broadcast %broadcast_in_dim3A_308 : vector<1x128xi32> to vector<1024x128xi32>
    %broadcast_in_dim3A_310 = vector.shape_cast %add3A_36 : vector<1x128xi32> to vector<1x128xi32>
    %broadcast_in_dim3A_311 = vector.broadcast %broadcast_in_dim3A_310 : vector<1x128xi32> to vector<1024x128xi32>
    %select_n3A_312 = arith.select %le3A_300, %broadcast_in_dim3A_309, %broadcast_in_dim3A_311 : vector<1024x128xi1>, vector<1024x128xi32>
    %le3A_313 = arith.cmpf ole, %slice3A_41, %slice3A_45 : vector<1024x128xf32>
    %min3A_314 = arith.minimumf %slice3A_41, %slice3A_45 : vector<1024x128xf32>
    %broadcast_in_dim3A_315 = vector.shape_cast %add3A_44 : vector<1x128xi32> to vector<1x128xi32>
    %broadcast_in_dim3A_316 = vector.broadcast %broadcast_in_dim3A_315 : vector<1x128xi32> to vector<1024x128xi32>
    %broadcast_in_dim3A_317 = vector.shape_cast %add3A_48 : vector<1x128xi32> to vector<1x128xi32>
    %broadcast_in_dim3A_318 = vector.broadcast %broadcast_in_dim3A_317 : vector<1x128xi32> to vector<1024x128xi32>
    %select_n3A_319 = arith.select %le3A_313, %broadcast_in_dim3A_316, %broadcast_in_dim3A_318 : vector<1024x128xi1>, vector<1024x128xi32>
    %max3A_320 = arith.maximumf %slice3A_41, %slice3A_45 : vector<1024x128xf32>
    %broadcast_in_dim3A_321 = vector.shape_cast %add3A_48 : vector<1x128xi32> to vector<1x128xi32>
    %broadcast_in_dim3A_322 = vector.broadcast %broadcast_in_dim3A_321 : vector<1x128xi32> to vector<1024x128xi32>
    %broadcast_in_dim3A_323 = vector.shape_cast %add3A_44 : vector<1x128xi32> to vector<1x128xi32>
    %broadcast_in_dim3A_324 = vector.broadcast %broadcast_in_dim3A_323 : vector<1x128xi32> to vector<1024x128xi32>
    %select_n3A_325 = arith.select %le3A_313, %broadcast_in_dim3A_322, %broadcast_in_dim3A_324 : vector<1024x128xi1>, vector<1024x128xi32>
    %le3A_326 = arith.cmpf ole, %slice3A_49, %slice3A_53 : vector<1024x128xf32>
    %min3A_327 = arith.minimumf %slice3A_49, %slice3A_53 : vector<1024x128xf32>
    %broadcast_in_dim3A_328 = vector.shape_cast %add3A_52 : vector<1x128xi32> to vector<1x128xi32>
    %broadcast_in_dim3A_329 = vector.broadcast %broadcast_in_dim3A_328 : vector<1x128xi32> to vector<1024x128xi32>
    %broadcast_in_dim3A_330 = vector.shape_cast %add3A_56 : vector<1x128xi32> to vector<1x128xi32>
    %broadcast_in_dim3A_331 = vector.broadcast %broadcast_in_dim3A_330 : vector<1x128xi32> to vector<1024x128xi32>
    %select_n3A_332 = arith.select %le3A_326, %broadcast_in_dim3A_329, %broadcast_in_dim3A_331 : vector<1024x128xi1>, vector<1024x128xi32>
    %max3A_333 = arith.maximumf %slice3A_49, %slice3A_53 : vector<1024x128xf32>
    %broadcast_in_dim3A_334 = vector.shape_cast %add3A_56 : vector<1x128xi32> to vector<1x128xi32>
    %broadcast_in_dim3A_335 = vector.broadcast %broadcast_in_dim3A_334 : vector<1x128xi32> to vector<1024x128xi32>
    %broadcast_in_dim3A_336 = vector.shape_cast %add3A_52 : vector<1x128xi32> to vector<1x128xi32>
    %broadcast_in_dim3A_337 = vector.broadcast %broadcast_in_dim3A_336 : vector<1x128xi32> to vector<1024x128xi32>
    %select_n3A_338 = arith.select %le3A_326, %broadcast_in_dim3A_335, %broadcast_in_dim3A_337 : vector<1024x128xi1>, vector<1024x128xi32>
    %le3A_339 = arith.cmpf ole, %slice3A_57, %slice3A_61 : vector<1024x128xf32>
    %min3A_340 = arith.minimumf %slice3A_57, %slice3A_61 : vector<1024x128xf32>
    %broadcast_in_dim3A_341 = vector.shape_cast %add3A_60 : vector<1x128xi32> to vector<1x128xi32>
    %broadcast_in_dim3A_342 = vector.broadcast %broadcast_in_dim3A_341 : vector<1x128xi32> to vector<1024x128xi32>
    %broadcast_in_dim3A_343 = vector.shape_cast %add3A_64 : vector<1x128xi32> to vector<1x128xi32>
    %broadcast_in_dim3A_344 = vector.broadcast %broadcast_in_dim3A_343 : vector<1x128xi32> to vector<1024x128xi32>
    %select_n3A_345 = arith.select %le3A_339, %broadcast_in_dim3A_342, %broadcast_in_dim3A_344 : vector<1024x128xi1>, vector<1024x128xi32>
    %max3A_346 = arith.maximumf %slice3A_57, %slice3A_61 : vector<1024x128xf32>
    %broadcast_in_dim3A_347 = vector.shape_cast %add3A_64 : vector<1x128xi32> to vector<1x128xi32>
    %broadcast_in_dim3A_348 = vector.broadcast %broadcast_in_dim3A_347 : vector<1x128xi32> to vector<1024x128xi32>
    %broadcast_in_dim3A_349 = vector.shape_cast %add3A_60 : vector<1x128xi32> to vector<1x128xi32>
    %broadcast_in_dim3A_350 = vector.broadcast %broadcast_in_dim3A_349 : vector<1x128xi32> to vector<1024x128xi32>
    %select_n3A_351 = arith.select %le3A_339, %broadcast_in_dim3A_348, %broadcast_in_dim3A_350 : vector<1024x128xi1>, vector<1024x128xi32>
    %le3A_352 = arith.cmpf ole, %slice3A_65, %slice3A_69 : vector<1024x128xf32>
    %min3A_353 = arith.minimumf %slice3A_65, %slice3A_69 : vector<1024x128xf32>
    %broadcast_in_dim3A_354 = vector.shape_cast %add3A_68 : vector<1x128xi32> to vector<1x128xi32>
    %broadcast_in_dim3A_355 = vector.broadcast %broadcast_in_dim3A_354 : vector<1x128xi32> to vector<1024x128xi32>
    %broadcast_in_dim3A_356 = vector.shape_cast %add3A_72 : vector<1x128xi32> to vector<1x128xi32>
    %broadcast_in_dim3A_357 = vector.broadcast %broadcast_in_dim3A_356 : vector<1x128xi32> to vector<1024x128xi32>
    %select_n3A_358 = arith.select %le3A_352, %broadcast_in_dim3A_355, %broadcast_in_dim3A_357 : vector<1024x128xi1>, vector<1024x128xi32>
    %max3A_359 = arith.maximumf %slice3A_65, %slice3A_69 : vector<1024x128xf32>
    %broadcast_in_dim3A_360 = vector.shape_cast %add3A_72 : vector<1x128xi32> to vector<1x128xi32>
    %broadcast_in_dim3A_361 = vector.broadcast %broadcast_in_dim3A_360 : vector<1x128xi32> to vector<1024x128xi32>
    %broadcast_in_dim3A_362 = vector.shape_cast %add3A_68 : vector<1x128xi32> to vector<1x128xi32>
    %broadcast_in_dim3A_363 = vector.broadcast %broadcast_in_dim3A_362 : vector<1x128xi32> to vector<1024x128xi32>
    %select_n3A_364 = arith.select %le3A_352, %broadcast_in_dim3A_361, %broadcast_in_dim3A_363 : vector<1024x128xi1>, vector<1024x128xi32>
    %le3A_365 = arith.cmpf ole, %slice3A_73, %slice3A_77 : vector<1024x128xf32>
    %min3A_366 = arith.minimumf %slice3A_73, %slice3A_77 : vector<1024x128xf32>
    %broadcast_in_dim3A_367 = vector.shape_cast %add3A_76 : vector<1x128xi32> to vector<1x128xi32>
    %broadcast_in_dim3A_368 = vector.broadcast %broadcast_in_dim3A_367 : vector<1x128xi32> to vector<1024x128xi32>
    %broadcast_in_dim3A_369 = vector.shape_cast %add3A_80 : vector<1x128xi32> to vector<1x128xi32>
    %broadcast_in_dim3A_370 = vector.broadcast %broadcast_in_dim3A_369 : vector<1x128xi32> to vector<1024x128xi32>
    %select_n3A_371 = arith.select %le3A_365, %broadcast_in_dim3A_368, %broadcast_in_dim3A_370 : vector<1024x128xi1>, vector<1024x128xi32>
    %max3A_372 = arith.maximumf %slice3A_73, %slice3A_77 : vector<1024x128xf32>
    %broadcast_in_dim3A_373 = vector.shape_cast %add3A_80 : vector<1x128xi32> to vector<1x128xi32>
    %broadcast_in_dim3A_374 = vector.broadcast %broadcast_in_dim3A_373 : vector<1x128xi32> to vector<1024x128xi32>
    %broadcast_in_dim3A_375 = vector.shape_cast %add3A_76 : vector<1x128xi32> to vector<1x128xi32>
    %broadcast_in_dim3A_376 = vector.broadcast %broadcast_in_dim3A_375 : vector<1x128xi32> to vector<1024x128xi32>
    %select_n3A_377 = arith.select %le3A_365, %broadcast_in_dim3A_374, %broadcast_in_dim3A_376 : vector<1024x128xi1>, vector<1024x128xi32>
    %le3A_378 = arith.cmpf ole, %slice3A_81, %slice3A_85 : vector<1024x128xf32>
    %min3A_379 = arith.minimumf %slice3A_81, %slice3A_85 : vector<1024x128xf32>
    %broadcast_in_dim3A_380 = vector.shape_cast %add3A_84 : vector<1x128xi32> to vector<1x128xi32>
    %broadcast_in_dim3A_381 = vector.broadcast %broadcast_in_dim3A_380 : vector<1x128xi32> to vector<1024x128xi32>
    %broadcast_in_dim3A_382 = vector.shape_cast %add3A_88 : vector<1x128xi32> to vector<1x128xi32>
    %broadcast_in_dim3A_383 = vector.broadcast %broadcast_in_dim3A_382 : vector<1x128xi32> to vector<1024x128xi32>
    %select_n3A_384 = arith.select %le3A_378, %broadcast_in_dim3A_381, %broadcast_in_dim3A_383 : vector<1024x128xi1>, vector<1024x128xi32>
    %max3A_385 = arith.maximumf %slice3A_81, %slice3A_85 : vector<1024x128xf32>
    %broadcast_in_dim3A_386 = vector.shape_cast %add3A_88 : vector<1x128xi32> to vector<1x128xi32>
    %broadcast_in_dim3A_387 = vector.broadcast %broadcast_in_dim3A_386 : vector<1x128xi32> to vector<1024x128xi32>
    %broadcast_in_dim3A_388 = vector.shape_cast %add3A_84 : vector<1x128xi32> to vector<1x128xi32>
    %broadcast_in_dim3A_389 = vector.broadcast %broadcast_in_dim3A_388 : vector<1x128xi32> to vector<1024x128xi32>
    %select_n3A_390 = arith.select %le3A_378, %broadcast_in_dim3A_387, %broadcast_in_dim3A_389 : vector<1024x128xi1>, vector<1024x128xi32>
    %le3A_391 = arith.cmpf ole, %slice3A_89, %slice3A_93 : vector<1024x128xf32>
    %min3A_392 = arith.minimumf %slice3A_89, %slice3A_93 : vector<1024x128xf32>
    %broadcast_in_dim3A_393 = vector.shape_cast %add3A_92 : vector<1x128xi32> to vector<1x128xi32>
    %broadcast_in_dim3A_394 = vector.broadcast %broadcast_in_dim3A_393 : vector<1x128xi32> to vector<1024x128xi32>
    %broadcast_in_dim3A_395 = vector.shape_cast %add3A_96 : vector<1x128xi32> to vector<1x128xi32>
    %broadcast_in_dim3A_396 = vector.broadcast %broadcast_in_dim3A_395 : vector<1x128xi32> to vector<1024x128xi32>
    %select_n3A_397 = arith.select %le3A_391, %broadcast_in_dim3A_394, %broadcast_in_dim3A_396 : vector<1024x128xi1>, vector<1024x128xi32>
    %max3A_398 = arith.maximumf %slice3A_89, %slice3A_93 : vector<1024x128xf32>
    %broadcast_in_dim3A_399 = vector.shape_cast %add3A_96 : vector<1x128xi32> to vector<1x128xi32>
    %broadcast_in_dim3A_400 = vector.broadcast %broadcast_in_dim3A_399 : vector<1x128xi32> to vector<1024x128xi32>
    %broadcast_in_dim3A_401 = vector.shape_cast %add3A_92 : vector<1x128xi32> to vector<1x128xi32>
    %broadcast_in_dim3A_402 = vector.broadcast %broadcast_in_dim3A_401 : vector<1x128xi32> to vector<1024x128xi32>
    %select_n3A_403 = arith.select %le3A_391, %broadcast_in_dim3A_400, %broadcast_in_dim3A_402 : vector<1024x128xi1>, vector<1024x128xi32>
    %le3A_404 = arith.cmpf ole, %slice3A_97, %slice3A_101 : vector<1024x128xf32>
    %min3A_405 = arith.minimumf %slice3A_97, %slice3A_101 : vector<1024x128xf32>
    %broadcast_in_dim3A_406 = vector.shape_cast %add3A_100 : vector<1x128xi32> to vector<1x128xi32>
    %broadcast_in_dim3A_407 = vector.broadcast %broadcast_in_dim3A_406 : vector<1x128xi32> to vector<1024x128xi32>
    %broadcast_in_dim3A_408 = vector.shape_cast %add3A_104 : vector<1x128xi32> to vector<1x128xi32>
    %broadcast_in_dim3A_409 = vector.broadcast %broadcast_in_dim3A_408 : vector<1x128xi32> to vector<1024x128xi32>
    %select_n3A_410 = arith.select %le3A_404, %broadcast_in_dim3A_407, %broadcast_in_dim3A_409 : vector<1024x128xi1>, vector<1024x128xi32>
    %max3A_411 = arith.maximumf %slice3A_97, %slice3A_101 : vector<1024x128xf32>
    %broadcast_in_dim3A_412 = vector.shape_cast %add3A_104 : vector<1x128xi32> to vector<1x128xi32>
    %broadcast_in_dim3A_413 = vector.broadcast %broadcast_in_dim3A_412 : vector<1x128xi32> to vector<1024x128xi32>
    %broadcast_in_dim3A_414 = vector.shape_cast %add3A_100 : vector<1x128xi32> to vector<1x128xi32>
    %broadcast_in_dim3A_415 = vector.broadcast %broadcast_in_dim3A_414 : vector<1x128xi32> to vector<1024x128xi32>
    %select_n3A_416 = arith.select %le3A_404, %broadcast_in_dim3A_413, %broadcast_in_dim3A_415 : vector<1024x128xi1>, vector<1024x128xi32>
    %le3A_417 = arith.cmpf ole, %slice3A_105, %slice3A_109 : vector<1024x128xf32>
    %min3A_418 = arith.minimumf %slice3A_105, %slice3A_109 : vector<1024x128xf32>
    %broadcast_in_dim3A_419 = vector.shape_cast %add3A_108 : vector<1x128xi32> to vector<1x128xi32>
    %broadcast_in_dim3A_420 = vector.broadcast %broadcast_in_dim3A_419 : vector<1x128xi32> to vector<1024x128xi32>
    %broadcast_in_dim3A_421 = vector.shape_cast %add3A_112 : vector<1x128xi32> to vector<1x128xi32>
    %broadcast_in_dim3A_422 = vector.broadcast %broadcast_in_dim3A_421 : vector<1x128xi32> to vector<1024x128xi32>
    %select_n3A_423 = arith.select %le3A_417, %broadcast_in_dim3A_420, %broadcast_in_dim3A_422 : vector<1024x128xi1>, vector<1024x128xi32>
    %max3A_424 = arith.maximumf %slice3A_105, %slice3A_109 : vector<1024x128xf32>
    %broadcast_in_dim3A_425 = vector.shape_cast %add3A_112 : vector<1x128xi32> to vector<1x128xi32>
    %broadcast_in_dim3A_426 = vector.broadcast %broadcast_in_dim3A_425 : vector<1x128xi32> to vector<1024x128xi32>
    %broadcast_in_dim3A_427 = vector.shape_cast %add3A_108 : vector<1x128xi32> to vector<1x128xi32>
    %broadcast_in_dim3A_428 = vector.broadcast %broadcast_in_dim3A_427 : vector<1x128xi32> to vector<1024x128xi32>
    %select_n3A_429 = arith.select %le3A_417, %broadcast_in_dim3A_426, %broadcast_in_dim3A_428 : vector<1024x128xi1>, vector<1024x128xi32>
    %le3A_430 = arith.cmpf ole, %slice3A_113, %slice3A_117 : vector<1024x128xf32>
    %min3A_431 = arith.minimumf %slice3A_113, %slice3A_117 : vector<1024x128xf32>
    %broadcast_in_dim3A_432 = vector.shape_cast %add3A_116 : vector<1x128xi32> to vector<1x128xi32>
    %broadcast_in_dim3A_433 = vector.broadcast %broadcast_in_dim3A_432 : vector<1x128xi32> to vector<1024x128xi32>
    %broadcast_in_dim3A_434 = vector.shape_cast %add3A_120 : vector<1x128xi32> to vector<1x128xi32>
    %broadcast_in_dim3A_435 = vector.broadcast %broadcast_in_dim3A_434 : vector<1x128xi32> to vector<1024x128xi32>
    %select_n3A_436 = arith.select %le3A_430, %broadcast_in_dim3A_433, %broadcast_in_dim3A_435 : vector<1024x128xi1>, vector<1024x128xi32>
    %max3A_437 = arith.maximumf %slice3A_113, %slice3A_117 : vector<1024x128xf32>
    %broadcast_in_dim3A_438 = vector.shape_cast %add3A_120 : vector<1x128xi32> to vector<1x128xi32>
    %broadcast_in_dim3A_439 = vector.broadcast %broadcast_in_dim3A_438 : vector<1x128xi32> to vector<1024x128xi32>
    %broadcast_in_dim3A_440 = vector.shape_cast %add3A_116 : vector<1x128xi32> to vector<1x128xi32>
    %broadcast_in_dim3A_441 = vector.broadcast %broadcast_in_dim3A_440 : vector<1x128xi32> to vector<1024x128xi32>
    %select_n3A_442 = arith.select %le3A_430, %broadcast_in_dim3A_439, %broadcast_in_dim3A_441 : vector<1024x128xi1>, vector<1024x128xi32>
    %le3A_443 = arith.cmpf ole, %slice3A_121, %slice3A_125 : vector<1024x128xf32>
    %min3A_444 = arith.minimumf %slice3A_121, %slice3A_125 : vector<1024x128xf32>
    %broadcast_in_dim3A_445 = vector.shape_cast %add3A_124 : vector<1x128xi32> to vector<1x128xi32>
    %broadcast_in_dim3A_446 = vector.broadcast %broadcast_in_dim3A_445 : vector<1x128xi32> to vector<1024x128xi32>
    %broadcast_in_dim3A_447 = vector.shape_cast %add3A_128 : vector<1x128xi32> to vector<1x128xi32>
    %broadcast_in_dim3A_448 = vector.broadcast %broadcast_in_dim3A_447 : vector<1x128xi32> to vector<1024x128xi32>
    %select_n3A_449 = arith.select %le3A_443, %broadcast_in_dim3A_446, %broadcast_in_dim3A_448 : vector<1024x128xi1>, vector<1024x128xi32>
    %max3A_450 = arith.maximumf %slice3A_121, %slice3A_125 : vector<1024x128xf32>
    %broadcast_in_dim3A_451 = vector.shape_cast %add3A_128 : vector<1x128xi32> to vector<1x128xi32>
    %broadcast_in_dim3A_452 = vector.broadcast %broadcast_in_dim3A_451 : vector<1x128xi32> to vector<1024x128xi32>
    %broadcast_in_dim3A_453 = vector.shape_cast %add3A_124 : vector<1x128xi32> to vector<1x128xi32>
    %broadcast_in_dim3A_454 = vector.broadcast %broadcast_in_dim3A_453 : vector<1x128xi32> to vector<1024x128xi32>
    %select_n3A_455 = arith.select %le3A_443, %broadcast_in_dim3A_452, %broadcast_in_dim3A_454 : vector<1024x128xi1>, vector<1024x128xi32>
    %le3A_456 = arith.cmpf ole, %slice3A_129, %slice3A_133 : vector<1024x128xf32>
    %min3A_457 = arith.minimumf %slice3A_129, %slice3A_133 : vector<1024x128xf32>
    %broadcast_in_dim3A_458 = vector.shape_cast %add3A_132 : vector<1x128xi32> to vector<1x128xi32>
    %broadcast_in_dim3A_459 = vector.broadcast %broadcast_in_dim3A_458 : vector<1x128xi32> to vector<1024x128xi32>
    %broadcast_in_dim3A_460 = vector.shape_cast %add3A_136 : vector<1x128xi32> to vector<1x128xi32>
    %broadcast_in_dim3A_461 = vector.broadcast %broadcast_in_dim3A_460 : vector<1x128xi32> to vector<1024x128xi32>
    %select_n3A_462 = arith.select %le3A_456, %broadcast_in_dim3A_459, %broadcast_in_dim3A_461 : vector<1024x128xi1>, vector<1024x128xi32>
    %max3A_463 = arith.maximumf %slice3A_129, %slice3A_133 : vector<1024x128xf32>
    %broadcast_in_dim3A_464 = vector.shape_cast %add3A_136 : vector<1x128xi32> to vector<1x128xi32>
    %broadcast_in_dim3A_465 = vector.broadcast %broadcast_in_dim3A_464 : vector<1x128xi32> to vector<1024x128xi32>
    %broadcast_in_dim3A_466 = vector.shape_cast %add3A_132 : vector<1x128xi32> to vector<1x128xi32>
    %broadcast_in_dim3A_467 = vector.broadcast %broadcast_in_dim3A_466 : vector<1x128xi32> to vector<1024x128xi32>
    %select_n3A_468 = arith.select %le3A_456, %broadcast_in_dim3A_465, %broadcast_in_dim3A_467 : vector<1024x128xi1>, vector<1024x128xi32>
    %le3A_469 = arith.cmpf ole, %slice3A_137, %slice3A_141 : vector<1024x128xf32>
    %min3A_470 = arith.minimumf %slice3A_137, %slice3A_141 : vector<1024x128xf32>
    %broadcast_in_dim3A_471 = vector.shape_cast %add3A_140 : vector<1x128xi32> to vector<1x128xi32>
    %broadcast_in_dim3A_472 = vector.broadcast %broadcast_in_dim3A_471 : vector<1x128xi32> to vector<1024x128xi32>
    %broadcast_in_dim3A_473 = vector.shape_cast %add3A_144 : vector<1x128xi32> to vector<1x128xi32>
    %broadcast_in_dim3A_474 = vector.broadcast %broadcast_in_dim3A_473 : vector<1x128xi32> to vector<1024x128xi32>
    %select_n3A_475 = arith.select %le3A_469, %broadcast_in_dim3A_472, %broadcast_in_dim3A_474 : vector<1024x128xi1>, vector<1024x128xi32>
    %max3A_476 = arith.maximumf %slice3A_137, %slice3A_141 : vector<1024x128xf32>
    %broadcast_in_dim3A_477 = vector.shape_cast %add3A_144 : vector<1x128xi32> to vector<1x128xi32>
    %broadcast_in_dim3A_478 = vector.broadcast %broadcast_in_dim3A_477 : vector<1x128xi32> to vector<1024x128xi32>
    %broadcast_in_dim3A_479 = vector.shape_cast %add3A_140 : vector<1x128xi32> to vector<1x128xi32>
    %broadcast_in_dim3A_480 = vector.broadcast %broadcast_in_dim3A_479 : vector<1x128xi32> to vector<1024x128xi32>
    %select_n3A_481 = arith.select %le3A_469, %broadcast_in_dim3A_478, %broadcast_in_dim3A_480 : vector<1024x128xi1>, vector<1024x128xi32>
    %le3A_482 = arith.cmpf ole, %slice3A_145, %slice3A_149 : vector<1024x128xf32>
    %min3A_483 = arith.minimumf %slice3A_145, %slice3A_149 : vector<1024x128xf32>
    %broadcast_in_dim3A_484 = vector.shape_cast %add3A_148 : vector<1x128xi32> to vector<1x128xi32>
    %broadcast_in_dim3A_485 = vector.broadcast %broadcast_in_dim3A_484 : vector<1x128xi32> to vector<1024x128xi32>
    %broadcast_in_dim3A_486 = vector.shape_cast %add3A_152 : vector<1x128xi32> to vector<1x128xi32>
    %broadcast_in_dim3A_487 = vector.broadcast %broadcast_in_dim3A_486 : vector<1x128xi32> to vector<1024x128xi32>
    %select_n3A_488 = arith.select %le3A_482, %broadcast_in_dim3A_485, %broadcast_in_dim3A_487 : vector<1024x128xi1>, vector<1024x128xi32>
    %max3A_489 = arith.maximumf %slice3A_145, %slice3A_149 : vector<1024x128xf32>
    %broadcast_in_dim3A_490 = vector.shape_cast %add3A_152 : vector<1x128xi32> to vector<1x128xi32>
    %broadcast_in_dim3A_491 = vector.broadcast %broadcast_in_dim3A_490 : vector<1x128xi32> to vector<1024x128xi32>
    %broadcast_in_dim3A_492 = vector.shape_cast %add3A_148 : vector<1x128xi32> to vector<1x128xi32>
    %broadcast_in_dim3A_493 = vector.broadcast %broadcast_in_dim3A_492 : vector<1x128xi32> to vector<1024x128xi32>
    %select_n3A_494 = arith.select %le3A_482, %broadcast_in_dim3A_491, %broadcast_in_dim3A_493 : vector<1024x128xi1>, vector<1024x128xi32>
    %le3A_495 = arith.cmpf ole, %slice3A_153, %slice3A_157 : vector<1024x128xf32>
    %min3A_496 = arith.minimumf %slice3A_153, %slice3A_157 : vector<1024x128xf32>
    %broadcast_in_dim3A_497 = vector.shape_cast %add3A_156 : vector<1x128xi32> to vector<1x128xi32>
    %broadcast_in_dim3A_498 = vector.broadcast %broadcast_in_dim3A_497 : vector<1x128xi32> to vector<1024x128xi32>
    %broadcast_in_dim3A_499 = vector.shape_cast %add3A_160 : vector<1x128xi32> to vector<1x128xi32>
    %broadcast_in_dim3A_500 = vector.broadcast %broadcast_in_dim3A_499 : vector<1x128xi32> to vector<1024x128xi32>
    %select_n3A_501 = arith.select %le3A_495, %broadcast_in_dim3A_498, %broadcast_in_dim3A_500 : vector<1024x128xi1>, vector<1024x128xi32>
    %max3A_502 = arith.maximumf %slice3A_153, %slice3A_157 : vector<1024x128xf32>
    %broadcast_in_dim3A_503 = vector.shape_cast %add3A_160 : vector<1x128xi32> to vector<1x128xi32>
    %broadcast_in_dim3A_504 = vector.broadcast %broadcast_in_dim3A_503 : vector<1x128xi32> to vector<1024x128xi32>
    %broadcast_in_dim3A_505 = vector.shape_cast %add3A_156 : vector<1x128xi32> to vector<1x128xi32>
    %broadcast_in_dim3A_506 = vector.broadcast %broadcast_in_dim3A_505 : vector<1x128xi32> to vector<1024x128xi32>
    %select_n3A_507 = arith.select %le3A_495, %broadcast_in_dim3A_504, %broadcast_in_dim3A_506 : vector<1024x128xi1>, vector<1024x128xi32>
    %le3A_508 = arith.cmpf ole, %slice3A_161, %slice3A_165 : vector<1024x128xf32>
    %min3A_509 = arith.minimumf %slice3A_161, %slice3A_165 : vector<1024x128xf32>
    %broadcast_in_dim3A_510 = vector.shape_cast %add3A_164 : vector<1x128xi32> to vector<1x128xi32>
    %broadcast_in_dim3A_511 = vector.broadcast %broadcast_in_dim3A_510 : vector<1x128xi32> to vector<1024x128xi32>
    %broadcast_in_dim3A_512 = vector.shape_cast %add3A_168 : vector<1x128xi32> to vector<1x128xi32>
    %broadcast_in_dim3A_513 = vector.broadcast %broadcast_in_dim3A_512 : vector<1x128xi32> to vector<1024x128xi32>
    %select_n3A_514 = arith.select %le3A_508, %broadcast_in_dim3A_511, %broadcast_in_dim3A_513 : vector<1024x128xi1>, vector<1024x128xi32>
    %max3A_515 = arith.maximumf %slice3A_161, %slice3A_165 : vector<1024x128xf32>
    %broadcast_in_dim3A_516 = vector.shape_cast %add3A_168 : vector<1x128xi32> to vector<1x128xi32>
    %broadcast_in_dim3A_517 = vector.broadcast %broadcast_in_dim3A_516 : vector<1x128xi32> to vector<1024x128xi32>
    %broadcast_in_dim3A_518 = vector.shape_cast %add3A_164 : vector<1x128xi32> to vector<1x128xi32>
    %broadcast_in_dim3A_519 = vector.broadcast %broadcast_in_dim3A_518 : vector<1x128xi32> to vector<1024x128xi32>
    %select_n3A_520 = arith.select %le3A_508, %broadcast_in_dim3A_517, %broadcast_in_dim3A_519 : vector<1024x128xi1>, vector<1024x128xi32>
    %le3A_521 = arith.cmpf ole, %slice3A_169, %slice3A_173 : vector<1024x128xf32>
    %min3A_522 = arith.minimumf %slice3A_169, %slice3A_173 : vector<1024x128xf32>
    %broadcast_in_dim3A_523 = vector.shape_cast %add3A_172 : vector<1x128xi32> to vector<1x128xi32>
    %broadcast_in_dim3A_524 = vector.broadcast %broadcast_in_dim3A_523 : vector<1x128xi32> to vector<1024x128xi32>
    %broadcast_in_dim3A_525 = vector.shape_cast %add3A_176 : vector<1x128xi32> to vector<1x128xi32>
    %broadcast_in_dim3A_526 = vector.broadcast %broadcast_in_dim3A_525 : vector<1x128xi32> to vector<1024x128xi32>
    %select_n3A_527 = arith.select %le3A_521, %broadcast_in_dim3A_524, %broadcast_in_dim3A_526 : vector<1024x128xi1>, vector<1024x128xi32>
    %max3A_528 = arith.maximumf %slice3A_169, %slice3A_173 : vector<1024x128xf32>
    %broadcast_in_dim3A_529 = vector.shape_cast %add3A_176 : vector<1x128xi32> to vector<1x128xi32>
    %broadcast_in_dim3A_530 = vector.broadcast %broadcast_in_dim3A_529 : vector<1x128xi32> to vector<1024x128xi32>
    %broadcast_in_dim3A_531 = vector.shape_cast %add3A_172 : vector<1x128xi32> to vector<1x128xi32>
    %broadcast_in_dim3A_532 = vector.broadcast %broadcast_in_dim3A_531 : vector<1x128xi32> to vector<1024x128xi32>
    %select_n3A_533 = arith.select %le3A_521, %broadcast_in_dim3A_530, %broadcast_in_dim3A_532 : vector<1024x128xi1>, vector<1024x128xi32>
    %le3A_534 = arith.cmpf ole, %slice3A_177, %slice3A_181 : vector<1024x128xf32>
    %min3A_535 = arith.minimumf %slice3A_177, %slice3A_181 : vector<1024x128xf32>
    %broadcast_in_dim3A_536 = vector.shape_cast %add3A_180 : vector<1x128xi32> to vector<1x128xi32>
    %broadcast_in_dim3A_537 = vector.broadcast %broadcast_in_dim3A_536 : vector<1x128xi32> to vector<1024x128xi32>
    %broadcast_in_dim3A_538 = vector.shape_cast %add3A_184 : vector<1x128xi32> to vector<1x128xi32>
    %broadcast_in_dim3A_539 = vector.broadcast %broadcast_in_dim3A_538 : vector<1x128xi32> to vector<1024x128xi32>
    %select_n3A_540 = arith.select %le3A_534, %broadcast_in_dim3A_537, %broadcast_in_dim3A_539 : vector<1024x128xi1>, vector<1024x128xi32>
    %max3A_541 = arith.maximumf %slice3A_177, %slice3A_181 : vector<1024x128xf32>
    %broadcast_in_dim3A_542 = vector.shape_cast %add3A_184 : vector<1x128xi32> to vector<1x128xi32>
    %broadcast_in_dim3A_543 = vector.broadcast %broadcast_in_dim3A_542 : vector<1x128xi32> to vector<1024x128xi32>
    %broadcast_in_dim3A_544 = vector.shape_cast %add3A_180 : vector<1x128xi32> to vector<1x128xi32>
    %broadcast_in_dim3A_545 = vector.broadcast %broadcast_in_dim3A_544 : vector<1x128xi32> to vector<1024x128xi32>
    %select_n3A_546 = arith.select %le3A_534, %broadcast_in_dim3A_543, %broadcast_in_dim3A_545 : vector<1024x128xi1>, vector<1024x128xi32>
    %le3A_547 = arith.cmpf ole, %slice3A_185, %slice3A_189 : vector<1024x128xf32>
    %min3A_548 = arith.minimumf %slice3A_185, %slice3A_189 : vector<1024x128xf32>
    %broadcast_in_dim3A_549 = vector.shape_cast %add3A_188 : vector<1x128xi32> to vector<1x128xi32>
    %broadcast_in_dim3A_550 = vector.broadcast %broadcast_in_dim3A_549 : vector<1x128xi32> to vector<1024x128xi32>
    %broadcast_in_dim3A_551 = vector.shape_cast %add3A_192 : vector<1x128xi32> to vector<1x128xi32>
    %broadcast_in_dim3A_552 = vector.broadcast %broadcast_in_dim3A_551 : vector<1x128xi32> to vector<1024x128xi32>
    %select_n3A_553 = arith.select %le3A_547, %broadcast_in_dim3A_550, %broadcast_in_dim3A_552 : vector<1024x128xi1>, vector<1024x128xi32>
    %max3A_554 = arith.maximumf %slice3A_185, %slice3A_189 : vector<1024x128xf32>
    %broadcast_in_dim3A_555 = vector.shape_cast %add3A_192 : vector<1x128xi32> to vector<1x128xi32>
    %broadcast_in_dim3A_556 = vector.broadcast %broadcast_in_dim3A_555 : vector<1x128xi32> to vector<1024x128xi32>
    %broadcast_in_dim3A_557 = vector.shape_cast %add3A_188 : vector<1x128xi32> to vector<1x128xi32>
    %broadcast_in_dim3A_558 = vector.broadcast %broadcast_in_dim3A_557 : vector<1x128xi32> to vector<1024x128xi32>
    %select_n3A_559 = arith.select %le3A_547, %broadcast_in_dim3A_556, %broadcast_in_dim3A_558 : vector<1024x128xi1>, vector<1024x128xi32>
    %le3A_560 = arith.cmpf ole, %slice3A_193, %slice3A_197 : vector<1024x128xf32>
    %min3A_561 = arith.minimumf %slice3A_193, %slice3A_197 : vector<1024x128xf32>
    %broadcast_in_dim3A_562 = vector.shape_cast %add3A_196 : vector<1x128xi32> to vector<1x128xi32>
    %broadcast_in_dim3A_563 = vector.broadcast %broadcast_in_dim3A_562 : vector<1x128xi32> to vector<1024x128xi32>
    %broadcast_in_dim3A_564 = vector.shape_cast %add3A_200 : vector<1x128xi32> to vector<1x128xi32>
    %broadcast_in_dim3A_565 = vector.broadcast %broadcast_in_dim3A_564 : vector<1x128xi32> to vector<1024x128xi32>
    %select_n3A_566 = arith.select %le3A_560, %broadcast_in_dim3A_563, %broadcast_in_dim3A_565 : vector<1024x128xi1>, vector<1024x128xi32>
    %max3A_567 = arith.maximumf %slice3A_193, %slice3A_197 : vector<1024x128xf32>
    %broadcast_in_dim3A_568 = vector.shape_cast %add3A_200 : vector<1x128xi32> to vector<1x128xi32>
    %broadcast_in_dim3A_569 = vector.broadcast %broadcast_in_dim3A_568 : vector<1x128xi32> to vector<1024x128xi32>
    %broadcast_in_dim3A_570 = vector.shape_cast %add3A_196 : vector<1x128xi32> to vector<1x128xi32>
    %broadcast_in_dim3A_571 = vector.broadcast %broadcast_in_dim3A_570 : vector<1x128xi32> to vector<1024x128xi32>
    %select_n3A_572 = arith.select %le3A_560, %broadcast_in_dim3A_569, %broadcast_in_dim3A_571 : vector<1024x128xi1>, vector<1024x128xi32>
    %le3A_573 = arith.cmpf ole, %slice3A_201, %slice3A_205 : vector<1024x128xf32>
    %min3A_574 = arith.minimumf %slice3A_201, %slice3A_205 : vector<1024x128xf32>
    %broadcast_in_dim3A_575 = vector.shape_cast %add3A_204 : vector<1x128xi32> to vector<1x128xi32>
    %broadcast_in_dim3A_576 = vector.broadcast %broadcast_in_dim3A_575 : vector<1x128xi32> to vector<1024x128xi32>
    %broadcast_in_dim3A_577 = vector.shape_cast %add3A_208 : vector<1x128xi32> to vector<1x128xi32>
    %broadcast_in_dim3A_578 = vector.broadcast %broadcast_in_dim3A_577 : vector<1x128xi32> to vector<1024x128xi32>
    %select_n3A_579 = arith.select %le3A_573, %broadcast_in_dim3A_576, %broadcast_in_dim3A_578 : vector<1024x128xi1>, vector<1024x128xi32>
    %max3A_580 = arith.maximumf %slice3A_201, %slice3A_205 : vector<1024x128xf32>
    %broadcast_in_dim3A_581 = vector.shape_cast %add3A_208 : vector<1x128xi32> to vector<1x128xi32>
    %broadcast_in_dim3A_582 = vector.broadcast %broadcast_in_dim3A_581 : vector<1x128xi32> to vector<1024x128xi32>
    %broadcast_in_dim3A_583 = vector.shape_cast %add3A_204 : vector<1x128xi32> to vector<1x128xi32>
    %broadcast_in_dim3A_584 = vector.broadcast %broadcast_in_dim3A_583 : vector<1x128xi32> to vector<1024x128xi32>
    %select_n3A_585 = arith.select %le3A_573, %broadcast_in_dim3A_582, %broadcast_in_dim3A_584 : vector<1024x128xi1>, vector<1024x128xi32>
    %le3A_586 = arith.cmpf ole, %slice3A_209, %slice3A_213 : vector<1024x128xf32>
    %min3A_587 = arith.minimumf %slice3A_209, %slice3A_213 : vector<1024x128xf32>
    %broadcast_in_dim3A_588 = vector.shape_cast %add3A_212 : vector<1x128xi32> to vector<1x128xi32>
    %broadcast_in_dim3A_589 = vector.broadcast %broadcast_in_dim3A_588 : vector<1x128xi32> to vector<1024x128xi32>
    %broadcast_in_dim3A_590 = vector.shape_cast %add3A_216 : vector<1x128xi32> to vector<1x128xi32>
    %broadcast_in_dim3A_591 = vector.broadcast %broadcast_in_dim3A_590 : vector<1x128xi32> to vector<1024x128xi32>
    %select_n3A_592 = arith.select %le3A_586, %broadcast_in_dim3A_589, %broadcast_in_dim3A_591 : vector<1024x128xi1>, vector<1024x128xi32>
    %max3A_593 = arith.maximumf %slice3A_209, %slice3A_213 : vector<1024x128xf32>
    %broadcast_in_dim3A_594 = vector.shape_cast %add3A_216 : vector<1x128xi32> to vector<1x128xi32>
    %broadcast_in_dim3A_595 = vector.broadcast %broadcast_in_dim3A_594 : vector<1x128xi32> to vector<1024x128xi32>
    %broadcast_in_dim3A_596 = vector.shape_cast %add3A_212 : vector<1x128xi32> to vector<1x128xi32>
    %broadcast_in_dim3A_597 = vector.broadcast %broadcast_in_dim3A_596 : vector<1x128xi32> to vector<1024x128xi32>
    %select_n3A_598 = arith.select %le3A_586, %broadcast_in_dim3A_595, %broadcast_in_dim3A_597 : vector<1024x128xi1>, vector<1024x128xi32>
    %le3A_599 = arith.cmpf ole, %slice3A_217, %slice3A_221 : vector<1024x128xf32>
    %min3A_600 = arith.minimumf %slice3A_217, %slice3A_221 : vector<1024x128xf32>
    %broadcast_in_dim3A_601 = vector.shape_cast %add3A_220 : vector<1x128xi32> to vector<1x128xi32>
    %broadcast_in_dim3A_602 = vector.broadcast %broadcast_in_dim3A_601 : vector<1x128xi32> to vector<1024x128xi32>
    %broadcast_in_dim3A_603 = vector.shape_cast %add3A_224 : vector<1x128xi32> to vector<1x128xi32>
    %broadcast_in_dim3A_604 = vector.broadcast %broadcast_in_dim3A_603 : vector<1x128xi32> to vector<1024x128xi32>
    %select_n3A_605 = arith.select %le3A_599, %broadcast_in_dim3A_602, %broadcast_in_dim3A_604 : vector<1024x128xi1>, vector<1024x128xi32>
    %max3A_606 = arith.maximumf %slice3A_217, %slice3A_221 : vector<1024x128xf32>
    %broadcast_in_dim3A_607 = vector.shape_cast %add3A_224 : vector<1x128xi32> to vector<1x128xi32>
    %broadcast_in_dim3A_608 = vector.broadcast %broadcast_in_dim3A_607 : vector<1x128xi32> to vector<1024x128xi32>
    %broadcast_in_dim3A_609 = vector.shape_cast %add3A_220 : vector<1x128xi32> to vector<1x128xi32>
    %broadcast_in_dim3A_610 = vector.broadcast %broadcast_in_dim3A_609 : vector<1x128xi32> to vector<1024x128xi32>
    %select_n3A_611 = arith.select %le3A_599, %broadcast_in_dim3A_608, %broadcast_in_dim3A_610 : vector<1024x128xi1>, vector<1024x128xi32>
    %le3A_612 = arith.cmpf ole, %slice3A_225, %slice3A_229 : vector<1024x128xf32>
    %min3A_613 = arith.minimumf %slice3A_225, %slice3A_229 : vector<1024x128xf32>
    %broadcast_in_dim3A_614 = vector.shape_cast %add3A_228 : vector<1x128xi32> to vector<1x128xi32>
    %broadcast_in_dim3A_615 = vector.broadcast %broadcast_in_dim3A_614 : vector<1x128xi32> to vector<1024x128xi32>
    %broadcast_in_dim3A_616 = vector.shape_cast %add3A_232 : vector<1x128xi32> to vector<1x128xi32>
    %broadcast_in_dim3A_617 = vector.broadcast %broadcast_in_dim3A_616 : vector<1x128xi32> to vector<1024x128xi32>
    %select_n3A_618 = arith.select %le3A_612, %broadcast_in_dim3A_615, %broadcast_in_dim3A_617 : vector<1024x128xi1>, vector<1024x128xi32>
    %max3A_619 = arith.maximumf %slice3A_225, %slice3A_229 : vector<1024x128xf32>
    %broadcast_in_dim3A_620 = vector.shape_cast %add3A_232 : vector<1x128xi32> to vector<1x128xi32>
    %broadcast_in_dim3A_621 = vector.broadcast %broadcast_in_dim3A_620 : vector<1x128xi32> to vector<1024x128xi32>
    %broadcast_in_dim3A_622 = vector.shape_cast %add3A_228 : vector<1x128xi32> to vector<1x128xi32>
    %broadcast_in_dim3A_623 = vector.broadcast %broadcast_in_dim3A_622 : vector<1x128xi32> to vector<1024x128xi32>
    %select_n3A_624 = arith.select %le3A_612, %broadcast_in_dim3A_621, %broadcast_in_dim3A_623 : vector<1024x128xi1>, vector<1024x128xi32>
    %le3A_625 = arith.cmpf ole, %slice3A_233, %slice3A_237 : vector<1024x128xf32>
    %min3A_626 = arith.minimumf %slice3A_233, %slice3A_237 : vector<1024x128xf32>
    %broadcast_in_dim3A_627 = vector.shape_cast %add3A_236 : vector<1x128xi32> to vector<1x128xi32>
    %broadcast_in_dim3A_628 = vector.broadcast %broadcast_in_dim3A_627 : vector<1x128xi32> to vector<1024x128xi32>
    %broadcast_in_dim3A_629 = vector.shape_cast %add3A_240 : vector<1x128xi32> to vector<1x128xi32>
    %broadcast_in_dim3A_630 = vector.broadcast %broadcast_in_dim3A_629 : vector<1x128xi32> to vector<1024x128xi32>
    %select_n3A_631 = arith.select %le3A_625, %broadcast_in_dim3A_628, %broadcast_in_dim3A_630 : vector<1024x128xi1>, vector<1024x128xi32>
    %max3A_632 = arith.maximumf %slice3A_233, %slice3A_237 : vector<1024x128xf32>
    %broadcast_in_dim3A_633 = vector.shape_cast %add3A_240 : vector<1x128xi32> to vector<1x128xi32>
    %broadcast_in_dim3A_634 = vector.broadcast %broadcast_in_dim3A_633 : vector<1x128xi32> to vector<1024x128xi32>
    %broadcast_in_dim3A_635 = vector.shape_cast %add3A_236 : vector<1x128xi32> to vector<1x128xi32>
    %broadcast_in_dim3A_636 = vector.broadcast %broadcast_in_dim3A_635 : vector<1x128xi32> to vector<1024x128xi32>
    %select_n3A_637 = arith.select %le3A_625, %broadcast_in_dim3A_634, %broadcast_in_dim3A_636 : vector<1024x128xi1>, vector<1024x128xi32>
    %le3A_638 = arith.cmpf ole, %slice3A_241, %slice3A_245 : vector<1024x128xf32>
    %min3A_639 = arith.minimumf %slice3A_241, %slice3A_245 : vector<1024x128xf32>
    %broadcast_in_dim3A_640 = vector.shape_cast %add3A_244 : vector<1x128xi32> to vector<1x128xi32>
    %broadcast_in_dim3A_641 = vector.broadcast %broadcast_in_dim3A_640 : vector<1x128xi32> to vector<1024x128xi32>
    %broadcast_in_dim3A_642 = vector.shape_cast %add3A_248 : vector<1x128xi32> to vector<1x128xi32>
    %broadcast_in_dim3A_643 = vector.broadcast %broadcast_in_dim3A_642 : vector<1x128xi32> to vector<1024x128xi32>
    %select_n3A_644 = arith.select %le3A_638, %broadcast_in_dim3A_641, %broadcast_in_dim3A_643 : vector<1024x128xi1>, vector<1024x128xi32>
    %max3A_645 = arith.maximumf %slice3A_241, %slice3A_245 : vector<1024x128xf32>
    %broadcast_in_dim3A_646 = vector.shape_cast %add3A_248 : vector<1x128xi32> to vector<1x128xi32>
    %broadcast_in_dim3A_647 = vector.broadcast %broadcast_in_dim3A_646 : vector<1x128xi32> to vector<1024x128xi32>
    %broadcast_in_dim3A_648 = vector.shape_cast %add3A_244 : vector<1x128xi32> to vector<1x128xi32>
    %broadcast_in_dim3A_649 = vector.broadcast %broadcast_in_dim3A_648 : vector<1x128xi32> to vector<1024x128xi32>
    %select_n3A_650 = arith.select %le3A_638, %broadcast_in_dim3A_647, %broadcast_in_dim3A_649 : vector<1024x128xi1>, vector<1024x128xi32>
    %le3A_651 = arith.cmpf ole, %slice3A_249, %slice3A_253 : vector<1024x128xf32>
    %min3A_652 = arith.minimumf %slice3A_249, %slice3A_253 : vector<1024x128xf32>
    %broadcast_in_dim3A_653 = vector.shape_cast %add3A_252 : vector<1x128xi32> to vector<1x128xi32>
    %broadcast_in_dim3A_654 = vector.broadcast %broadcast_in_dim3A_653 : vector<1x128xi32> to vector<1024x128xi32>
    %broadcast_in_dim3A_655 = vector.shape_cast %add3A_256 : vector<1x128xi32> to vector<1x128xi32>
    %broadcast_in_dim3A_656 = vector.broadcast %broadcast_in_dim3A_655 : vector<1x128xi32> to vector<1024x128xi32>
    %select_n3A_657 = arith.select %le3A_651, %broadcast_in_dim3A_654, %broadcast_in_dim3A_656 : vector<1024x128xi1>, vector<1024x128xi32>
    %max3A_658 = arith.maximumf %slice3A_249, %slice3A_253 : vector<1024x128xf32>
    %broadcast_in_dim3A_659 = vector.shape_cast %add3A_256 : vector<1x128xi32> to vector<1x128xi32>
    %broadcast_in_dim3A_660 = vector.broadcast %broadcast_in_dim3A_659 : vector<1x128xi32> to vector<1024x128xi32>
    %broadcast_in_dim3A_661 = vector.shape_cast %add3A_252 : vector<1x128xi32> to vector<1x128xi32>
    %broadcast_in_dim3A_662 = vector.broadcast %broadcast_in_dim3A_661 : vector<1x128xi32> to vector<1024x128xi32>
    %select_n3A_663 = arith.select %le3A_651, %broadcast_in_dim3A_660, %broadcast_in_dim3A_662 : vector<1024x128xi1>, vector<1024x128xi32>
    %le3A_664 = arith.cmpf ole, %slice3A_257, %slice3A_261 : vector<1024x128xf32>
    %min3A_665 = arith.minimumf %slice3A_257, %slice3A_261 : vector<1024x128xf32>
    %broadcast_in_dim3A_666 = vector.shape_cast %add3A_260 : vector<1x128xi32> to vector<1x128xi32>
    %broadcast_in_dim3A_667 = vector.broadcast %broadcast_in_dim3A_666 : vector<1x128xi32> to vector<1024x128xi32>
    %broadcast_in_dim3A_668 = vector.shape_cast %add3A_264 : vector<1x128xi32> to vector<1x128xi32>
    %broadcast_in_dim3A_669 = vector.broadcast %broadcast_in_dim3A_668 : vector<1x128xi32> to vector<1024x128xi32>
    %select_n3A_670 = arith.select %le3A_664, %broadcast_in_dim3A_667, %broadcast_in_dim3A_669 : vector<1024x128xi1>, vector<1024x128xi32>
    %max3A_671 = arith.maximumf %slice3A_257, %slice3A_261 : vector<1024x128xf32>
    %broadcast_in_dim3A_672 = vector.shape_cast %add3A_264 : vector<1x128xi32> to vector<1x128xi32>
    %broadcast_in_dim3A_673 = vector.broadcast %broadcast_in_dim3A_672 : vector<1x128xi32> to vector<1024x128xi32>
    %broadcast_in_dim3A_674 = vector.shape_cast %add3A_260 : vector<1x128xi32> to vector<1x128xi32>
    %broadcast_in_dim3A_675 = vector.broadcast %broadcast_in_dim3A_674 : vector<1x128xi32> to vector<1024x128xi32>
    %select_n3A_676 = arith.select %le3A_664, %broadcast_in_dim3A_673, %broadcast_in_dim3A_675 : vector<1024x128xi1>, vector<1024x128xi32>
    %le3A_677 = arith.cmpf ole, %min3A, %min3A_275 : vector<1024x128xf32>
    %min3A_678 = arith.minimumf %min3A, %min3A_275 : vector<1024x128xf32>
    %select_n3A_679 = arith.select %le3A_677, %select_n3A, %select_n3A_280 : vector<1024x128xi1>, vector<1024x128xi32>
    %max3A_680 = arith.maximumf %min3A, %min3A_275 : vector<1024x128xf32>
    %select_n3A_681 = arith.select %le3A_677, %select_n3A_280, %select_n3A : vector<1024x128xi1>, vector<1024x128xi32>
    %le3A_682 = arith.cmpf ole, %max3A, %max3A_281 : vector<1024x128xf32>
    %min3A_683 = arith.minimumf %max3A, %max3A_281 : vector<1024x128xf32>
    %select_n3A_684 = arith.select %le3A_682, %select_n3A_273, %select_n3A_286 : vector<1024x128xi1>, vector<1024x128xi32>
    %le3A_685 = arith.cmpf ole, %min3A_683, %max3A_680 : vector<1024x128xf32>
    %min3A_686 = arith.minimumf %min3A_683, %max3A_680 : vector<1024x128xf32>
    %select_n3A_687 = arith.select %le3A_685, %select_n3A_684, %select_n3A_681 : vector<1024x128xi1>, vector<1024x128xi32>
    %le3A_688 = arith.cmpf ole, %min3A_288, %min3A_301 : vector<1024x128xf32>
    %min3A_689 = arith.minimumf %min3A_288, %min3A_301 : vector<1024x128xf32>
    %select_n3A_690 = arith.select %le3A_688, %select_n3A_293, %select_n3A_306 : vector<1024x128xi1>, vector<1024x128xi32>
    %max3A_691 = arith.maximumf %min3A_288, %min3A_301 : vector<1024x128xf32>
    %select_n3A_692 = arith.select %le3A_688, %select_n3A_306, %select_n3A_293 : vector<1024x128xi1>, vector<1024x128xi32>
    %le3A_693 = arith.cmpf ole, %max3A_294, %max3A_307 : vector<1024x128xf32>
    %min3A_694 = arith.minimumf %max3A_294, %max3A_307 : vector<1024x128xf32>
    %select_n3A_695 = arith.select %le3A_693, %select_n3A_299, %select_n3A_312 : vector<1024x128xi1>, vector<1024x128xi32>
    %le3A_696 = arith.cmpf ole, %min3A_694, %max3A_691 : vector<1024x128xf32>
    %min3A_697 = arith.minimumf %min3A_694, %max3A_691 : vector<1024x128xf32>
    %select_n3A_698 = arith.select %le3A_696, %select_n3A_695, %select_n3A_692 : vector<1024x128xi1>, vector<1024x128xi32>
    %le3A_699 = arith.cmpf ole, %min3A_314, %min3A_327 : vector<1024x128xf32>
    %min3A_700 = arith.minimumf %min3A_314, %min3A_327 : vector<1024x128xf32>
    %select_n3A_701 = arith.select %le3A_699, %select_n3A_319, %select_n3A_332 : vector<1024x128xi1>, vector<1024x128xi32>
    %max3A_702 = arith.maximumf %min3A_314, %min3A_327 : vector<1024x128xf32>
    %select_n3A_703 = arith.select %le3A_699, %select_n3A_332, %select_n3A_319 : vector<1024x128xi1>, vector<1024x128xi32>
    %le3A_704 = arith.cmpf ole, %max3A_320, %max3A_333 : vector<1024x128xf32>
    %min3A_705 = arith.minimumf %max3A_320, %max3A_333 : vector<1024x128xf32>
    %select_n3A_706 = arith.select %le3A_704, %select_n3A_325, %select_n3A_338 : vector<1024x128xi1>, vector<1024x128xi32>
    %le3A_707 = arith.cmpf ole, %min3A_705, %max3A_702 : vector<1024x128xf32>
    %min3A_708 = arith.minimumf %min3A_705, %max3A_702 : vector<1024x128xf32>
    %select_n3A_709 = arith.select %le3A_707, %select_n3A_706, %select_n3A_703 : vector<1024x128xi1>, vector<1024x128xi32>
    %le3A_710 = arith.cmpf ole, %min3A_340, %min3A_353 : vector<1024x128xf32>
    %min3A_711 = arith.minimumf %min3A_340, %min3A_353 : vector<1024x128xf32>
    %select_n3A_712 = arith.select %le3A_710, %select_n3A_345, %select_n3A_358 : vector<1024x128xi1>, vector<1024x128xi32>
    %max3A_713 = arith.maximumf %min3A_340, %min3A_353 : vector<1024x128xf32>
    %select_n3A_714 = arith.select %le3A_710, %select_n3A_358, %select_n3A_345 : vector<1024x128xi1>, vector<1024x128xi32>
    %le3A_715 = arith.cmpf ole, %max3A_346, %max3A_359 : vector<1024x128xf32>
    %min3A_716 = arith.minimumf %max3A_346, %max3A_359 : vector<1024x128xf32>
    %select_n3A_717 = arith.select %le3A_715, %select_n3A_351, %select_n3A_364 : vector<1024x128xi1>, vector<1024x128xi32>
    %le3A_718 = arith.cmpf ole, %min3A_716, %max3A_713 : vector<1024x128xf32>
    %min3A_719 = arith.minimumf %min3A_716, %max3A_713 : vector<1024x128xf32>
    %select_n3A_720 = arith.select %le3A_718, %select_n3A_717, %select_n3A_714 : vector<1024x128xi1>, vector<1024x128xi32>
    %le3A_721 = arith.cmpf ole, %min3A_366, %min3A_379 : vector<1024x128xf32>
    %min3A_722 = arith.minimumf %min3A_366, %min3A_379 : vector<1024x128xf32>
    %select_n3A_723 = arith.select %le3A_721, %select_n3A_371, %select_n3A_384 : vector<1024x128xi1>, vector<1024x128xi32>
    %max3A_724 = arith.maximumf %min3A_366, %min3A_379 : vector<1024x128xf32>
    %select_n3A_725 = arith.select %le3A_721, %select_n3A_384, %select_n3A_371 : vector<1024x128xi1>, vector<1024x128xi32>
    %le3A_726 = arith.cmpf ole, %max3A_372, %max3A_385 : vector<1024x128xf32>
    %min3A_727 = arith.minimumf %max3A_372, %max3A_385 : vector<1024x128xf32>
    %select_n3A_728 = arith.select %le3A_726, %select_n3A_377, %select_n3A_390 : vector<1024x128xi1>, vector<1024x128xi32>
    %le3A_729 = arith.cmpf ole, %min3A_727, %max3A_724 : vector<1024x128xf32>
    %min3A_730 = arith.minimumf %min3A_727, %max3A_724 : vector<1024x128xf32>
    %select_n3A_731 = arith.select %le3A_729, %select_n3A_728, %select_n3A_725 : vector<1024x128xi1>, vector<1024x128xi32>
    %le3A_732 = arith.cmpf ole, %min3A_392, %min3A_405 : vector<1024x128xf32>
    %min3A_733 = arith.minimumf %min3A_392, %min3A_405 : vector<1024x128xf32>
    %select_n3A_734 = arith.select %le3A_732, %select_n3A_397, %select_n3A_410 : vector<1024x128xi1>, vector<1024x128xi32>
    %max3A_735 = arith.maximumf %min3A_392, %min3A_405 : vector<1024x128xf32>
    %select_n3A_736 = arith.select %le3A_732, %select_n3A_410, %select_n3A_397 : vector<1024x128xi1>, vector<1024x128xi32>
    %le3A_737 = arith.cmpf ole, %max3A_398, %max3A_411 : vector<1024x128xf32>
    %min3A_738 = arith.minimumf %max3A_398, %max3A_411 : vector<1024x128xf32>
    %select_n3A_739 = arith.select %le3A_737, %select_n3A_403, %select_n3A_416 : vector<1024x128xi1>, vector<1024x128xi32>
    %le3A_740 = arith.cmpf ole, %min3A_738, %max3A_735 : vector<1024x128xf32>
    %min3A_741 = arith.minimumf %min3A_738, %max3A_735 : vector<1024x128xf32>
    %select_n3A_742 = arith.select %le3A_740, %select_n3A_739, %select_n3A_736 : vector<1024x128xi1>, vector<1024x128xi32>
    %le3A_743 = arith.cmpf ole, %min3A_418, %min3A_431 : vector<1024x128xf32>
    %min3A_744 = arith.minimumf %min3A_418, %min3A_431 : vector<1024x128xf32>
    %select_n3A_745 = arith.select %le3A_743, %select_n3A_423, %select_n3A_436 : vector<1024x128xi1>, vector<1024x128xi32>
    %max3A_746 = arith.maximumf %min3A_418, %min3A_431 : vector<1024x128xf32>
    %select_n3A_747 = arith.select %le3A_743, %select_n3A_436, %select_n3A_423 : vector<1024x128xi1>, vector<1024x128xi32>
    %le3A_748 = arith.cmpf ole, %max3A_424, %max3A_437 : vector<1024x128xf32>
    %min3A_749 = arith.minimumf %max3A_424, %max3A_437 : vector<1024x128xf32>
    %select_n3A_750 = arith.select %le3A_748, %select_n3A_429, %select_n3A_442 : vector<1024x128xi1>, vector<1024x128xi32>
    %le3A_751 = arith.cmpf ole, %min3A_749, %max3A_746 : vector<1024x128xf32>
    %min3A_752 = arith.minimumf %min3A_749, %max3A_746 : vector<1024x128xf32>
    %select_n3A_753 = arith.select %le3A_751, %select_n3A_750, %select_n3A_747 : vector<1024x128xi1>, vector<1024x128xi32>
    %le3A_754 = arith.cmpf ole, %min3A_444, %min3A_457 : vector<1024x128xf32>
    %min3A_755 = arith.minimumf %min3A_444, %min3A_457 : vector<1024x128xf32>
    %select_n3A_756 = arith.select %le3A_754, %select_n3A_449, %select_n3A_462 : vector<1024x128xi1>, vector<1024x128xi32>
    %max3A_757 = arith.maximumf %min3A_444, %min3A_457 : vector<1024x128xf32>
    %select_n3A_758 = arith.select %le3A_754, %select_n3A_462, %select_n3A_449 : vector<1024x128xi1>, vector<1024x128xi32>
    %le3A_759 = arith.cmpf ole, %max3A_450, %max3A_463 : vector<1024x128xf32>
    %min3A_760 = arith.minimumf %max3A_450, %max3A_463 : vector<1024x128xf32>
    %select_n3A_761 = arith.select %le3A_759, %select_n3A_455, %select_n3A_468 : vector<1024x128xi1>, vector<1024x128xi32>
    %le3A_762 = arith.cmpf ole, %min3A_760, %max3A_757 : vector<1024x128xf32>
    %min3A_763 = arith.minimumf %min3A_760, %max3A_757 : vector<1024x128xf32>
    %select_n3A_764 = arith.select %le3A_762, %select_n3A_761, %select_n3A_758 : vector<1024x128xi1>, vector<1024x128xi32>
    %le3A_765 = arith.cmpf ole, %min3A_470, %min3A_483 : vector<1024x128xf32>
    %min3A_766 = arith.minimumf %min3A_470, %min3A_483 : vector<1024x128xf32>
    %select_n3A_767 = arith.select %le3A_765, %select_n3A_475, %select_n3A_488 : vector<1024x128xi1>, vector<1024x128xi32>
    %max3A_768 = arith.maximumf %min3A_470, %min3A_483 : vector<1024x128xf32>
    %select_n3A_769 = arith.select %le3A_765, %select_n3A_488, %select_n3A_475 : vector<1024x128xi1>, vector<1024x128xi32>
    %le3A_770 = arith.cmpf ole, %max3A_476, %max3A_489 : vector<1024x128xf32>
    %min3A_771 = arith.minimumf %max3A_476, %max3A_489 : vector<1024x128xf32>
    %select_n3A_772 = arith.select %le3A_770, %select_n3A_481, %select_n3A_494 : vector<1024x128xi1>, vector<1024x128xi32>
    %le3A_773 = arith.cmpf ole, %min3A_771, %max3A_768 : vector<1024x128xf32>
    %min3A_774 = arith.minimumf %min3A_771, %max3A_768 : vector<1024x128xf32>
    %select_n3A_775 = arith.select %le3A_773, %select_n3A_772, %select_n3A_769 : vector<1024x128xi1>, vector<1024x128xi32>
    %le3A_776 = arith.cmpf ole, %min3A_496, %min3A_509 : vector<1024x128xf32>
    %min3A_777 = arith.minimumf %min3A_496, %min3A_509 : vector<1024x128xf32>
    %select_n3A_778 = arith.select %le3A_776, %select_n3A_501, %select_n3A_514 : vector<1024x128xi1>, vector<1024x128xi32>
    %max3A_779 = arith.maximumf %min3A_496, %min3A_509 : vector<1024x128xf32>
    %select_n3A_780 = arith.select %le3A_776, %select_n3A_514, %select_n3A_501 : vector<1024x128xi1>, vector<1024x128xi32>
    %le3A_781 = arith.cmpf ole, %max3A_502, %max3A_515 : vector<1024x128xf32>
    %min3A_782 = arith.minimumf %max3A_502, %max3A_515 : vector<1024x128xf32>
    %select_n3A_783 = arith.select %le3A_781, %select_n3A_507, %select_n3A_520 : vector<1024x128xi1>, vector<1024x128xi32>
    %le3A_784 = arith.cmpf ole, %min3A_782, %max3A_779 : vector<1024x128xf32>
    %min3A_785 = arith.minimumf %min3A_782, %max3A_779 : vector<1024x128xf32>
    %select_n3A_786 = arith.select %le3A_784, %select_n3A_783, %select_n3A_780 : vector<1024x128xi1>, vector<1024x128xi32>
    %le3A_787 = arith.cmpf ole, %min3A_522, %min3A_535 : vector<1024x128xf32>
    %min3A_788 = arith.minimumf %min3A_522, %min3A_535 : vector<1024x128xf32>
    %select_n3A_789 = arith.select %le3A_787, %select_n3A_527, %select_n3A_540 : vector<1024x128xi1>, vector<1024x128xi32>
    %max3A_790 = arith.maximumf %min3A_522, %min3A_535 : vector<1024x128xf32>
    %select_n3A_791 = arith.select %le3A_787, %select_n3A_540, %select_n3A_527 : vector<1024x128xi1>, vector<1024x128xi32>
    %le3A_792 = arith.cmpf ole, %max3A_528, %max3A_541 : vector<1024x128xf32>
    %min3A_793 = arith.minimumf %max3A_528, %max3A_541 : vector<1024x128xf32>
    %select_n3A_794 = arith.select %le3A_792, %select_n3A_533, %select_n3A_546 : vector<1024x128xi1>, vector<1024x128xi32>
    %le3A_795 = arith.cmpf ole, %min3A_793, %max3A_790 : vector<1024x128xf32>
    %min3A_796 = arith.minimumf %min3A_793, %max3A_790 : vector<1024x128xf32>
    %select_n3A_797 = arith.select %le3A_795, %select_n3A_794, %select_n3A_791 : vector<1024x128xi1>, vector<1024x128xi32>
    %le3A_798 = arith.cmpf ole, %min3A_548, %min3A_561 : vector<1024x128xf32>
    %min3A_799 = arith.minimumf %min3A_548, %min3A_561 : vector<1024x128xf32>
    %select_n3A_800 = arith.select %le3A_798, %select_n3A_553, %select_n3A_566 : vector<1024x128xi1>, vector<1024x128xi32>
    %max3A_801 = arith.maximumf %min3A_548, %min3A_561 : vector<1024x128xf32>
    %select_n3A_802 = arith.select %le3A_798, %select_n3A_566, %select_n3A_553 : vector<1024x128xi1>, vector<1024x128xi32>
    %le3A_803 = arith.cmpf ole, %max3A_554, %max3A_567 : vector<1024x128xf32>
    %min3A_804 = arith.minimumf %max3A_554, %max3A_567 : vector<1024x128xf32>
    %select_n3A_805 = arith.select %le3A_803, %select_n3A_559, %select_n3A_572 : vector<1024x128xi1>, vector<1024x128xi32>
    %le3A_806 = arith.cmpf ole, %min3A_804, %max3A_801 : vector<1024x128xf32>
    %min3A_807 = arith.minimumf %min3A_804, %max3A_801 : vector<1024x128xf32>
    %select_n3A_808 = arith.select %le3A_806, %select_n3A_805, %select_n3A_802 : vector<1024x128xi1>, vector<1024x128xi32>
    %le3A_809 = arith.cmpf ole, %min3A_574, %min3A_587 : vector<1024x128xf32>
    %min3A_810 = arith.minimumf %min3A_574, %min3A_587 : vector<1024x128xf32>
    %select_n3A_811 = arith.select %le3A_809, %select_n3A_579, %select_n3A_592 : vector<1024x128xi1>, vector<1024x128xi32>
    %max3A_812 = arith.maximumf %min3A_574, %min3A_587 : vector<1024x128xf32>
    %select_n3A_813 = arith.select %le3A_809, %select_n3A_592, %select_n3A_579 : vector<1024x128xi1>, vector<1024x128xi32>
    %le3A_814 = arith.cmpf ole, %max3A_580, %max3A_593 : vector<1024x128xf32>
    %min3A_815 = arith.minimumf %max3A_580, %max3A_593 : vector<1024x128xf32>
    %select_n3A_816 = arith.select %le3A_814, %select_n3A_585, %select_n3A_598 : vector<1024x128xi1>, vector<1024x128xi32>
    %le3A_817 = arith.cmpf ole, %min3A_815, %max3A_812 : vector<1024x128xf32>
    %min3A_818 = arith.minimumf %min3A_815, %max3A_812 : vector<1024x128xf32>
    %select_n3A_819 = arith.select %le3A_817, %select_n3A_816, %select_n3A_813 : vector<1024x128xi1>, vector<1024x128xi32>
    %le3A_820 = arith.cmpf ole, %min3A_600, %min3A_613 : vector<1024x128xf32>
    %min3A_821 = arith.minimumf %min3A_600, %min3A_613 : vector<1024x128xf32>
    %select_n3A_822 = arith.select %le3A_820, %select_n3A_605, %select_n3A_618 : vector<1024x128xi1>, vector<1024x128xi32>
    %max3A_823 = arith.maximumf %min3A_600, %min3A_613 : vector<1024x128xf32>
    %select_n3A_824 = arith.select %le3A_820, %select_n3A_618, %select_n3A_605 : vector<1024x128xi1>, vector<1024x128xi32>
    %le3A_825 = arith.cmpf ole, %max3A_606, %max3A_619 : vector<1024x128xf32>
    %min3A_826 = arith.minimumf %max3A_606, %max3A_619 : vector<1024x128xf32>
    %select_n3A_827 = arith.select %le3A_825, %select_n3A_611, %select_n3A_624 : vector<1024x128xi1>, vector<1024x128xi32>
    %le3A_828 = arith.cmpf ole, %min3A_826, %max3A_823 : vector<1024x128xf32>
    %min3A_829 = arith.minimumf %min3A_826, %max3A_823 : vector<1024x128xf32>
    %select_n3A_830 = arith.select %le3A_828, %select_n3A_827, %select_n3A_824 : vector<1024x128xi1>, vector<1024x128xi32>
    %le3A_831 = arith.cmpf ole, %min3A_626, %min3A_639 : vector<1024x128xf32>
    %min3A_832 = arith.minimumf %min3A_626, %min3A_639 : vector<1024x128xf32>
    %select_n3A_833 = arith.select %le3A_831, %select_n3A_631, %select_n3A_644 : vector<1024x128xi1>, vector<1024x128xi32>
    %max3A_834 = arith.maximumf %min3A_626, %min3A_639 : vector<1024x128xf32>
    %select_n3A_835 = arith.select %le3A_831, %select_n3A_644, %select_n3A_631 : vector<1024x128xi1>, vector<1024x128xi32>
    %le3A_836 = arith.cmpf ole, %max3A_632, %max3A_645 : vector<1024x128xf32>
    %min3A_837 = arith.minimumf %max3A_632, %max3A_645 : vector<1024x128xf32>
    %select_n3A_838 = arith.select %le3A_836, %select_n3A_637, %select_n3A_650 : vector<1024x128xi1>, vector<1024x128xi32>
    %le3A_839 = arith.cmpf ole, %min3A_837, %max3A_834 : vector<1024x128xf32>
    %min3A_840 = arith.minimumf %min3A_837, %max3A_834 : vector<1024x128xf32>
    %select_n3A_841 = arith.select %le3A_839, %select_n3A_838, %select_n3A_835 : vector<1024x128xi1>, vector<1024x128xi32>
    %le3A_842 = arith.cmpf ole, %min3A_652, %min3A_665 : vector<1024x128xf32>
    %min3A_843 = arith.minimumf %min3A_652, %min3A_665 : vector<1024x128xf32>
    %select_n3A_844 = arith.select %le3A_842, %select_n3A_657, %select_n3A_670 : vector<1024x128xi1>, vector<1024x128xi32>
    %max3A_845 = arith.maximumf %min3A_652, %min3A_665 : vector<1024x128xf32>
    %select_n3A_846 = arith.select %le3A_842, %select_n3A_670, %select_n3A_657 : vector<1024x128xi1>, vector<1024x128xi32>
    %le3A_847 = arith.cmpf ole, %max3A_658, %max3A_671 : vector<1024x128xf32>
    %min3A_848 = arith.minimumf %max3A_658, %max3A_671 : vector<1024x128xf32>
    %select_n3A_849 = arith.select %le3A_847, %select_n3A_663, %select_n3A_676 : vector<1024x128xi1>, vector<1024x128xi32>
    %le3A_850 = arith.cmpf ole, %min3A_848, %max3A_845 : vector<1024x128xf32>
    %min3A_851 = arith.minimumf %min3A_848, %max3A_845 : vector<1024x128xf32>
    %select_n3A_852 = arith.select %le3A_850, %select_n3A_849, %select_n3A_846 : vector<1024x128xi1>, vector<1024x128xi32>
    %le3A_853 = arith.cmpf ole, %min3A_678, %min3A_689 : vector<1024x128xf32>
    %min3A_854 = arith.minimumf %min3A_678, %min3A_689 : vector<1024x128xf32>
    %select_n3A_855 = arith.select %le3A_853, %select_n3A_679, %select_n3A_690 : vector<1024x128xi1>, vector<1024x128xi32>
    %max3A_856 = arith.maximumf %min3A_678, %min3A_689 : vector<1024x128xf32>
    %select_n3A_857 = arith.select %le3A_853, %select_n3A_690, %select_n3A_679 : vector<1024x128xi1>, vector<1024x128xi32>
    %le3A_858 = arith.cmpf ole, %min3A_686, %min3A_697 : vector<1024x128xf32>
    %min3A_859 = arith.minimumf %min3A_686, %min3A_697 : vector<1024x128xf32>
    %select_n3A_860 = arith.select %le3A_858, %select_n3A_687, %select_n3A_698 : vector<1024x128xi1>, vector<1024x128xi32>
    %le3A_861 = arith.cmpf ole, %min3A_859, %max3A_856 : vector<1024x128xf32>
    %min3A_862 = arith.minimumf %min3A_859, %max3A_856 : vector<1024x128xf32>
    %select_n3A_863 = arith.select %le3A_861, %select_n3A_860, %select_n3A_857 : vector<1024x128xi1>, vector<1024x128xi32>
    %le3A_864 = arith.cmpf ole, %min3A_700, %min3A_711 : vector<1024x128xf32>
    %min3A_865 = arith.minimumf %min3A_700, %min3A_711 : vector<1024x128xf32>
    %select_n3A_866 = arith.select %le3A_864, %select_n3A_701, %select_n3A_712 : vector<1024x128xi1>, vector<1024x128xi32>
    %max3A_867 = arith.maximumf %min3A_700, %min3A_711 : vector<1024x128xf32>
    %select_n3A_868 = arith.select %le3A_864, %select_n3A_712, %select_n3A_701 : vector<1024x128xi1>, vector<1024x128xi32>
    %le3A_869 = arith.cmpf ole, %min3A_708, %min3A_719 : vector<1024x128xf32>
    %min3A_870 = arith.minimumf %min3A_708, %min3A_719 : vector<1024x128xf32>
    %select_n3A_871 = arith.select %le3A_869, %select_n3A_709, %select_n3A_720 : vector<1024x128xi1>, vector<1024x128xi32>
    %le3A_872 = arith.cmpf ole, %min3A_870, %max3A_867 : vector<1024x128xf32>
    %min3A_873 = arith.minimumf %min3A_870, %max3A_867 : vector<1024x128xf32>
    %select_n3A_874 = arith.select %le3A_872, %select_n3A_871, %select_n3A_868 : vector<1024x128xi1>, vector<1024x128xi32>
    %le3A_875 = arith.cmpf ole, %min3A_722, %min3A_733 : vector<1024x128xf32>
    %min3A_876 = arith.minimumf %min3A_722, %min3A_733 : vector<1024x128xf32>
    %select_n3A_877 = arith.select %le3A_875, %select_n3A_723, %select_n3A_734 : vector<1024x128xi1>, vector<1024x128xi32>
    %max3A_878 = arith.maximumf %min3A_722, %min3A_733 : vector<1024x128xf32>
    %select_n3A_879 = arith.select %le3A_875, %select_n3A_734, %select_n3A_723 : vector<1024x128xi1>, vector<1024x128xi32>
    %le3A_880 = arith.cmpf ole, %min3A_730, %min3A_741 : vector<1024x128xf32>
    %min3A_881 = arith.minimumf %min3A_730, %min3A_741 : vector<1024x128xf32>
    %select_n3A_882 = arith.select %le3A_880, %select_n3A_731, %select_n3A_742 : vector<1024x128xi1>, vector<1024x128xi32>
    %le3A_883 = arith.cmpf ole, %min3A_881, %max3A_878 : vector<1024x128xf32>
    %min3A_884 = arith.minimumf %min3A_881, %max3A_878 : vector<1024x128xf32>
    %select_n3A_885 = arith.select %le3A_883, %select_n3A_882, %select_n3A_879 : vector<1024x128xi1>, vector<1024x128xi32>
    %le3A_886 = arith.cmpf ole, %min3A_744, %min3A_755 : vector<1024x128xf32>
    %min3A_887 = arith.minimumf %min3A_744, %min3A_755 : vector<1024x128xf32>
    %select_n3A_888 = arith.select %le3A_886, %select_n3A_745, %select_n3A_756 : vector<1024x128xi1>, vector<1024x128xi32>
    %max3A_889 = arith.maximumf %min3A_744, %min3A_755 : vector<1024x128xf32>
    %select_n3A_890 = arith.select %le3A_886, %select_n3A_756, %select_n3A_745 : vector<1024x128xi1>, vector<1024x128xi32>
    %le3A_891 = arith.cmpf ole, %min3A_752, %min3A_763 : vector<1024x128xf32>
    %min3A_892 = arith.minimumf %min3A_752, %min3A_763 : vector<1024x128xf32>
    %select_n3A_893 = arith.select %le3A_891, %select_n3A_753, %select_n3A_764 : vector<1024x128xi1>, vector<1024x128xi32>
    %le3A_894 = arith.cmpf ole, %min3A_892, %max3A_889 : vector<1024x128xf32>
    %min3A_895 = arith.minimumf %min3A_892, %max3A_889 : vector<1024x128xf32>
    %select_n3A_896 = arith.select %le3A_894, %select_n3A_893, %select_n3A_890 : vector<1024x128xi1>, vector<1024x128xi32>
    %le3A_897 = arith.cmpf ole, %min3A_766, %min3A_777 : vector<1024x128xf32>
    %min3A_898 = arith.minimumf %min3A_766, %min3A_777 : vector<1024x128xf32>
    %select_n3A_899 = arith.select %le3A_897, %select_n3A_767, %select_n3A_778 : vector<1024x128xi1>, vector<1024x128xi32>
    %max3A_900 = arith.maximumf %min3A_766, %min3A_777 : vector<1024x128xf32>
    %select_n3A_901 = arith.select %le3A_897, %select_n3A_778, %select_n3A_767 : vector<1024x128xi1>, vector<1024x128xi32>
    %le3A_902 = arith.cmpf ole, %min3A_774, %min3A_785 : vector<1024x128xf32>
    %min3A_903 = arith.minimumf %min3A_774, %min3A_785 : vector<1024x128xf32>
    %select_n3A_904 = arith.select %le3A_902, %select_n3A_775, %select_n3A_786 : vector<1024x128xi1>, vector<1024x128xi32>
    %le3A_905 = arith.cmpf ole, %min3A_903, %max3A_900 : vector<1024x128xf32>
    %min3A_906 = arith.minimumf %min3A_903, %max3A_900 : vector<1024x128xf32>
    %select_n3A_907 = arith.select %le3A_905, %select_n3A_904, %select_n3A_901 : vector<1024x128xi1>, vector<1024x128xi32>
    %le3A_908 = arith.cmpf ole, %min3A_788, %min3A_799 : vector<1024x128xf32>
    %min3A_909 = arith.minimumf %min3A_788, %min3A_799 : vector<1024x128xf32>
    %select_n3A_910 = arith.select %le3A_908, %select_n3A_789, %select_n3A_800 : vector<1024x128xi1>, vector<1024x128xi32>
    %max3A_911 = arith.maximumf %min3A_788, %min3A_799 : vector<1024x128xf32>
    %select_n3A_912 = arith.select %le3A_908, %select_n3A_800, %select_n3A_789 : vector<1024x128xi1>, vector<1024x128xi32>
    %le3A_913 = arith.cmpf ole, %min3A_796, %min3A_807 : vector<1024x128xf32>
    %min3A_914 = arith.minimumf %min3A_796, %min3A_807 : vector<1024x128xf32>
    %select_n3A_915 = arith.select %le3A_913, %select_n3A_797, %select_n3A_808 : vector<1024x128xi1>, vector<1024x128xi32>
    %le3A_916 = arith.cmpf ole, %min3A_914, %max3A_911 : vector<1024x128xf32>
    %min3A_917 = arith.minimumf %min3A_914, %max3A_911 : vector<1024x128xf32>
    %select_n3A_918 = arith.select %le3A_916, %select_n3A_915, %select_n3A_912 : vector<1024x128xi1>, vector<1024x128xi32>
    %le3A_919 = arith.cmpf ole, %min3A_810, %min3A_821 : vector<1024x128xf32>
    %min3A_920 = arith.minimumf %min3A_810, %min3A_821 : vector<1024x128xf32>
    %select_n3A_921 = arith.select %le3A_919, %select_n3A_811, %select_n3A_822 : vector<1024x128xi1>, vector<1024x128xi32>
    %max3A_922 = arith.maximumf %min3A_810, %min3A_821 : vector<1024x128xf32>
    %select_n3A_923 = arith.select %le3A_919, %select_n3A_822, %select_n3A_811 : vector<1024x128xi1>, vector<1024x128xi32>
    %le3A_924 = arith.cmpf ole, %min3A_818, %min3A_829 : vector<1024x128xf32>
    %min3A_925 = arith.minimumf %min3A_818, %min3A_829 : vector<1024x128xf32>
    %select_n3A_926 = arith.select %le3A_924, %select_n3A_819, %select_n3A_830 : vector<1024x128xi1>, vector<1024x128xi32>
    %le3A_927 = arith.cmpf ole, %min3A_925, %max3A_922 : vector<1024x128xf32>
    %min3A_928 = arith.minimumf %min3A_925, %max3A_922 : vector<1024x128xf32>
    %select_n3A_929 = arith.select %le3A_927, %select_n3A_926, %select_n3A_923 : vector<1024x128xi1>, vector<1024x128xi32>
    %le3A_930 = arith.cmpf ole, %min3A_832, %min3A_843 : vector<1024x128xf32>
    %min3A_931 = arith.minimumf %min3A_832, %min3A_843 : vector<1024x128xf32>
    %select_n3A_932 = arith.select %le3A_930, %select_n3A_833, %select_n3A_844 : vector<1024x128xi1>, vector<1024x128xi32>
    %max3A_933 = arith.maximumf %min3A_832, %min3A_843 : vector<1024x128xf32>
    %select_n3A_934 = arith.select %le3A_930, %select_n3A_844, %select_n3A_833 : vector<1024x128xi1>, vector<1024x128xi32>
    %le3A_935 = arith.cmpf ole, %min3A_840, %min3A_851 : vector<1024x128xf32>
    %min3A_936 = arith.minimumf %min3A_840, %min3A_851 : vector<1024x128xf32>
    %select_n3A_937 = arith.select %le3A_935, %select_n3A_841, %select_n3A_852 : vector<1024x128xi1>, vector<1024x128xi32>
    %le3A_938 = arith.cmpf ole, %min3A_936, %max3A_933 : vector<1024x128xf32>
    %min3A_939 = arith.minimumf %min3A_936, %max3A_933 : vector<1024x128xf32>
    %select_n3A_940 = arith.select %le3A_938, %select_n3A_937, %select_n3A_934 : vector<1024x128xi1>, vector<1024x128xi32>
    %le3A_941 = arith.cmpf ole, %min3A_854, %min3A_865 : vector<1024x128xf32>
    %min3A_942 = arith.minimumf %min3A_854, %min3A_865 : vector<1024x128xf32>
    %select_n3A_943 = arith.select %le3A_941, %select_n3A_855, %select_n3A_866 : vector<1024x128xi1>, vector<1024x128xi32>
    %max3A_944 = arith.maximumf %min3A_854, %min3A_865 : vector<1024x128xf32>
    %select_n3A_945 = arith.select %le3A_941, %select_n3A_866, %select_n3A_855 : vector<1024x128xi1>, vector<1024x128xi32>
    %le3A_946 = arith.cmpf ole, %min3A_862, %min3A_873 : vector<1024x128xf32>
    %min3A_947 = arith.minimumf %min3A_862, %min3A_873 : vector<1024x128xf32>
    %select_n3A_948 = arith.select %le3A_946, %select_n3A_863, %select_n3A_874 : vector<1024x128xi1>, vector<1024x128xi32>
    %le3A_949 = arith.cmpf ole, %min3A_947, %max3A_944 : vector<1024x128xf32>
    %min3A_950 = arith.minimumf %min3A_947, %max3A_944 : vector<1024x128xf32>
    %select_n3A_951 = arith.select %le3A_949, %select_n3A_948, %select_n3A_945 : vector<1024x128xi1>, vector<1024x128xi32>
    %le3A_952 = arith.cmpf ole, %min3A_876, %min3A_887 : vector<1024x128xf32>
    %min3A_953 = arith.minimumf %min3A_876, %min3A_887 : vector<1024x128xf32>
    %select_n3A_954 = arith.select %le3A_952, %select_n3A_877, %select_n3A_888 : vector<1024x128xi1>, vector<1024x128xi32>
    %max3A_955 = arith.maximumf %min3A_876, %min3A_887 : vector<1024x128xf32>
    %select_n3A_956 = arith.select %le3A_952, %select_n3A_888, %select_n3A_877 : vector<1024x128xi1>, vector<1024x128xi32>
    %le3A_957 = arith.cmpf ole, %min3A_884, %min3A_895 : vector<1024x128xf32>
    %min3A_958 = arith.minimumf %min3A_884, %min3A_895 : vector<1024x128xf32>
    %select_n3A_959 = arith.select %le3A_957, %select_n3A_885, %select_n3A_896 : vector<1024x128xi1>, vector<1024x128xi32>
    %le3A_960 = arith.cmpf ole, %min3A_958, %max3A_955 : vector<1024x128xf32>
    %min3A_961 = arith.minimumf %min3A_958, %max3A_955 : vector<1024x128xf32>
    %select_n3A_962 = arith.select %le3A_960, %select_n3A_959, %select_n3A_956 : vector<1024x128xi1>, vector<1024x128xi32>
    %le3A_963 = arith.cmpf ole, %min3A_898, %min3A_909 : vector<1024x128xf32>
    %min3A_964 = arith.minimumf %min3A_898, %min3A_909 : vector<1024x128xf32>
    %select_n3A_965 = arith.select %le3A_963, %select_n3A_899, %select_n3A_910 : vector<1024x128xi1>, vector<1024x128xi32>
    %max3A_966 = arith.maximumf %min3A_898, %min3A_909 : vector<1024x128xf32>
    %select_n3A_967 = arith.select %le3A_963, %select_n3A_910, %select_n3A_899 : vector<1024x128xi1>, vector<1024x128xi32>
    %le3A_968 = arith.cmpf ole, %min3A_906, %min3A_917 : vector<1024x128xf32>
    %min3A_969 = arith.minimumf %min3A_906, %min3A_917 : vector<1024x128xf32>
    %select_n3A_970 = arith.select %le3A_968, %select_n3A_907, %select_n3A_918 : vector<1024x128xi1>, vector<1024x128xi32>
    %le3A_971 = arith.cmpf ole, %min3A_969, %max3A_966 : vector<1024x128xf32>
    %min3A_972 = arith.minimumf %min3A_969, %max3A_966 : vector<1024x128xf32>
    %select_n3A_973 = arith.select %le3A_971, %select_n3A_970, %select_n3A_967 : vector<1024x128xi1>, vector<1024x128xi32>
    %le3A_974 = arith.cmpf ole, %min3A_920, %min3A_931 : vector<1024x128xf32>
    %min3A_975 = arith.minimumf %min3A_920, %min3A_931 : vector<1024x128xf32>
    %select_n3A_976 = arith.select %le3A_974, %select_n3A_921, %select_n3A_932 : vector<1024x128xi1>, vector<1024x128xi32>
    %max3A_977 = arith.maximumf %min3A_920, %min3A_931 : vector<1024x128xf32>
    %select_n3A_978 = arith.select %le3A_974, %select_n3A_932, %select_n3A_921 : vector<1024x128xi1>, vector<1024x128xi32>
    %le3A_979 = arith.cmpf ole, %min3A_928, %min3A_939 : vector<1024x128xf32>
    %min3A_980 = arith.minimumf %min3A_928, %min3A_939 : vector<1024x128xf32>
    %select_n3A_981 = arith.select %le3A_979, %select_n3A_929, %select_n3A_940 : vector<1024x128xi1>, vector<1024x128xi32>
    %le3A_982 = arith.cmpf ole, %min3A_980, %max3A_977 : vector<1024x128xf32>
    %min3A_983 = arith.minimumf %min3A_980, %max3A_977 : vector<1024x128xf32>
    %select_n3A_984 = arith.select %le3A_982, %select_n3A_981, %select_n3A_978 : vector<1024x128xi1>, vector<1024x128xi32>
    %le3A_985 = arith.cmpf ole, %min3A_942, %min3A_953 : vector<1024x128xf32>
    %min3A_986 = arith.minimumf %min3A_942, %min3A_953 : vector<1024x128xf32>
    %select_n3A_987 = arith.select %le3A_985, %select_n3A_943, %select_n3A_954 : vector<1024x128xi1>, vector<1024x128xi32>
    %max3A_988 = arith.maximumf %min3A_942, %min3A_953 : vector<1024x128xf32>
    %select_n3A_989 = arith.select %le3A_985, %select_n3A_954, %select_n3A_943 : vector<1024x128xi1>, vector<1024x128xi32>
    %le3A_990 = arith.cmpf ole, %min3A_950, %min3A_961 : vector<1024x128xf32>
    %min3A_991 = arith.minimumf %min3A_950, %min3A_961 : vector<1024x128xf32>
    %select_n3A_992 = arith.select %le3A_990, %select_n3A_951, %select_n3A_962 : vector<1024x128xi1>, vector<1024x128xi32>
    %le3A_993 = arith.cmpf ole, %min3A_991, %max3A_988 : vector<1024x128xf32>
    %min3A_994 = arith.minimumf %min3A_991, %max3A_988 : vector<1024x128xf32>
    %select_n3A_995 = arith.select %le3A_993, %select_n3A_992, %select_n3A_989 : vector<1024x128xi1>, vector<1024x128xi32>
    %le3A_996 = arith.cmpf ole, %min3A_964, %min3A_975 : vector<1024x128xf32>
    %min3A_997 = arith.minimumf %min3A_964, %min3A_975 : vector<1024x128xf32>
    %select_n3A_998 = arith.select %le3A_996, %select_n3A_965, %select_n3A_976 : vector<1024x128xi1>, vector<1024x128xi32>
    %max3A_999 = arith.maximumf %min3A_964, %min3A_975 : vector<1024x128xf32>
    %select_n3A_1000 = arith.select %le3A_996, %select_n3A_976, %select_n3A_965 : vector<1024x128xi1>, vector<1024x128xi32>
    %le3A_1001 = arith.cmpf ole, %min3A_972, %min3A_983 : vector<1024x128xf32>
    %min3A_1002 = arith.minimumf %min3A_972, %min3A_983 : vector<1024x128xf32>
    %select_n3A_1003 = arith.select %le3A_1001, %select_n3A_973, %select_n3A_984 : vector<1024x128xi1>, vector<1024x128xi32>
    %le3A_1004 = arith.cmpf ole, %min3A_1002, %max3A_999 : vector<1024x128xf32>
    %min3A_1005 = arith.minimumf %min3A_1002, %max3A_999 : vector<1024x128xf32>
    %select_n3A_1006 = arith.select %le3A_1004, %select_n3A_1003, %select_n3A_1000 : vector<1024x128xi1>, vector<1024x128xi32>
    %le3A_1007 = arith.cmpf ole, %min3A_986, %min3A_997 : vector<1024x128xf32>
    %min3A_1008 = arith.minimumf %min3A_986, %min3A_997 : vector<1024x128xf32>
    %select_n3A_1009 = arith.select %le3A_1007, %select_n3A_987, %select_n3A_998 : vector<1024x128xi1>, vector<1024x128xi32>
    %max3A_1010 = arith.maximumf %min3A_986, %min3A_997 : vector<1024x128xf32>
    %select_n3A_1011 = arith.select %le3A_1007, %select_n3A_998, %select_n3A_987 : vector<1024x128xi1>, vector<1024x128xi32>
    %le3A_1012 = arith.cmpf ole, %min3A_994, %min3A_1005 : vector<1024x128xf32>
    %min3A_1013 = arith.minimumf %min3A_994, %min3A_1005 : vector<1024x128xf32>
    %select_n3A_1014 = arith.select %le3A_1012, %select_n3A_995, %select_n3A_1006 : vector<1024x128xi1>, vector<1024x128xi32>
    %le3A_1015 = arith.cmpf ole, %min3A_1013, %max3A_1010 : vector<1024x128xf32>
    %min3A_1016 = arith.minimumf %min3A_1013, %max3A_1010 : vector<1024x128xf32>
    %select_n3A_1017 = arith.select %le3A_1015, %select_n3A_1014, %select_n3A_1011 : vector<1024x128xi1>, vector<1024x128xi32>
    %concatenate3A = tpu.concatenate %min3A_1008, %min3A_1016 in 1 : vector<1024x128xf32>, vector<1024x128xf32> -> vector<1024x256xf32>
    %concatenate3A_1018 = tpu.concatenate %select_n3A_1009, %select_n3A_1017 in 1 : vector<1024x128xi32>, vector<1024x128xi32> -> vector<1024x256xi32>
    %iota3A_1019 = tpu.iota {dimensions = array<i32: 1>} : vector<1x256xi32>
    %mul3A_1020 = arith.constant 8192 : i32
    %mul3A_1021 = arith.muli %arg0, %mul3A_1020 : i32
    %reduce_min3A = arith.constant dense<0x7F800000> : vector<1024xf32>
    %reduce_min3A_1022 = vector.multi_reduction <minimumf>, %concatenate3A, %reduce_min3A [1] : vector<1024x256xf32> to vector<1024xf32>
    %broadcast_in_dim3A_1023 = vector.shape_cast %reduce_min3A_1022 : vector<1024xf32> to vector<1024x1xf32>
    %eq3A = vector.broadcast %broadcast_in_dim3A_1023 : vector<1024x1xf32> to vector<1024x256xf32>
    %eq3A_1024 = arith.cmpf oeq, %concatenate3A, %eq3A : vector<1024x256xf32>
    %jit3A = arith.constant 1073741824 : i32
    %broadcast_in_dim3A_1025 = vector.broadcast %jit3A : i32 to vector<1024x256xi32>
    %select_n3A_1026 = arith.select %eq3A_1024, %concatenate3A_1018, %broadcast_in_dim3A_1025 : vector<1024x256xi1>, vector<1024x256xi32>
    %reduce_min3A_1027 = arith.constant dense<2147483647> : vector<1024xi32>
    %reduce_min3A_1028 = vector.multi_reduction <minsi>, %select_n3A_1026, %reduce_min3A_1027 [1] : vector<1024x256xi32> to vector<1024xi32>
    %broadcast_in_dim3A_1029 = vector.shape_cast %reduce_min3A_1028 : vector<1024xi32> to vector<1024x1xi32>
    %eq3A_1030 = vector.broadcast %broadcast_in_dim3A_1023 : vector<1024x1xf32> to vector<1024x256xf32>
    %eq3A_1031 = arith.cmpf oeq, %concatenate3A, %eq3A_1030 : vector<1024x256xf32>
    %eq3A_1032 = vector.broadcast %broadcast_in_dim3A_1029 : vector<1024x1xi32> to vector<1024x256xi32>
    %eq3A_1033 = arith.cmpi eq, %concatenate3A_1018, %eq3A_1032 : vector<1024x256xi32>
    %and3A = arith.andi %eq3A_1031, %eq3A_1033 : vector<1024x256xi1>
    %jit3A_1034 = arith.constant 1073741824 : i32
    %broadcast_in_dim3A_1035 = vector.shape_cast %iota3A_1019 : vector<1x256xi32> to vector<1x256xi32>
    %broadcast_in_dim3A_1036 = vector.broadcast %broadcast_in_dim3A_1035 : vector<1x256xi32> to vector<1024x256xi32>
    %broadcast_in_dim3A_1037 = vector.broadcast %jit3A_1034 : i32 to vector<1024x256xi32>
    %select_n3A_1038 = arith.select %and3A, %broadcast_in_dim3A_1036, %broadcast_in_dim3A_1037 : vector<1024x256xi1>, vector<1024x256xi32>
    %reduce_min3A_1039 = arith.constant dense<2147483647> : vector<1024xi32>
    %reduce_min3A_1040 = vector.multi_reduction <minsi>, %select_n3A_1038, %reduce_min3A_1039 [1] : vector<1024x256xi32> to vector<1024xi32>
    %broadcast_in_dim3A_1041 = vector.shape_cast %reduce_min3A_1040 : vector<1024xi32> to vector<1024x1xi32>
    %add3A_1042 = vector.broadcast %mul3A_1021 : i32 to vector<1024x1xi32>
    %add3A_1043 = arith.addi %add3A_1042, %broadcast_in_dim3A_1029 : vector<1024x1xi32>
    %eq3A_1044 = vector.broadcast %iota3A_1019 : vector<1x256xi32> to vector<1024x256xi32>
    %eq3A_1045 = vector.broadcast %broadcast_in_dim3A_1041 : vector<1024x1xi32> to vector<1024x256xi32>
    %eq3A_1046 = arith.cmpi eq, %eq3A_1044, %eq3A_1045 : vector<1024x256xi32>
    %jit3A_1047 = arith.constant 0x7F800000 : f32
    %broadcast_in_dim3A_1048 = vector.broadcast %jit3A_1047 : f32 to vector<1024x256xf32>
    %select_n3A_1049 = arith.select %eq3A_1046, %broadcast_in_dim3A_1048, %concatenate3A : vector<1024x256xi1>, vector<1024x256xf32>
    %reduce_min3A_1050 = arith.constant dense<0x7F800000> : vector<1024xf32>
    %reduce_min3A_1051 = vector.multi_reduction <minimumf>, %select_n3A_1049, %reduce_min3A_1050 [1] : vector<1024x256xf32> to vector<1024xf32>
    %broadcast_in_dim3A_1052 = vector.shape_cast %reduce_min3A_1051 : vector<1024xf32> to vector<1024x1xf32>
    %eq3A_1053 = vector.broadcast %broadcast_in_dim3A_1052 : vector<1024x1xf32> to vector<1024x256xf32>
    %eq3A_1054 = arith.cmpf oeq, %select_n3A_1049, %eq3A_1053 : vector<1024x256xf32>
    %jit3A_1055 = arith.constant 1073741824 : i32
    %broadcast_in_dim3A_1056 = vector.broadcast %jit3A_1055 : i32 to vector<1024x256xi32>
    %select_n3A_1057 = arith.select %eq3A_1054, %concatenate3A_1018, %broadcast_in_dim3A_1056 : vector<1024x256xi1>, vector<1024x256xi32>
    %reduce_min3A_1058 = arith.constant dense<2147483647> : vector<1024xi32>
    %reduce_min3A_1059 = vector.multi_reduction <minsi>, %select_n3A_1057, %reduce_min3A_1058 [1] : vector<1024x256xi32> to vector<1024xi32>
    %broadcast_in_dim3A_1060 = vector.shape_cast %reduce_min3A_1059 : vector<1024xi32> to vector<1024x1xi32>
    %eq3A_1061 = vector.broadcast %broadcast_in_dim3A_1052 : vector<1024x1xf32> to vector<1024x256xf32>
    %eq3A_1062 = arith.cmpf oeq, %select_n3A_1049, %eq3A_1061 : vector<1024x256xf32>
    %eq3A_1063 = vector.broadcast %broadcast_in_dim3A_1060 : vector<1024x1xi32> to vector<1024x256xi32>
    %eq3A_1064 = arith.cmpi eq, %concatenate3A_1018, %eq3A_1063 : vector<1024x256xi32>
    %and3A_1065 = arith.andi %eq3A_1062, %eq3A_1064 : vector<1024x256xi1>
    %jit3A_1066 = arith.constant 1073741824 : i32
    %broadcast_in_dim3A_1067 = vector.shape_cast %iota3A_1019 : vector<1x256xi32> to vector<1x256xi32>
    %broadcast_in_dim3A_1068 = vector.broadcast %broadcast_in_dim3A_1067 : vector<1x256xi32> to vector<1024x256xi32>
    %broadcast_in_dim3A_1069 = vector.broadcast %jit3A_1066 : i32 to vector<1024x256xi32>
    %select_n3A_1070 = arith.select %and3A_1065, %broadcast_in_dim3A_1068, %broadcast_in_dim3A_1069 : vector<1024x256xi1>, vector<1024x256xi32>
    %reduce_min3A_1071 = arith.constant dense<2147483647> : vector<1024xi32>
    %reduce_min3A_1072 = vector.multi_reduction <minsi>, %select_n3A_1070, %reduce_min3A_1071 [1] : vector<1024x256xi32> to vector<1024xi32>
    %broadcast_in_dim3A_1073 = vector.shape_cast %reduce_min3A_1072 : vector<1024xi32> to vector<1024x1xi32>
    %add3A_1074 = vector.broadcast %mul3A_1021 : i32 to vector<1024x1xi32>
    %add3A_1075 = arith.addi %add3A_1074, %broadcast_in_dim3A_1060 : vector<1024x1xi32>
    %eq3A_1076 = vector.broadcast %iota3A_1019 : vector<1x256xi32> to vector<1024x256xi32>
    %eq3A_1077 = vector.broadcast %broadcast_in_dim3A_1073 : vector<1024x1xi32> to vector<1024x256xi32>
    %eq3A_1078 = arith.cmpi eq, %eq3A_1076, %eq3A_1077 : vector<1024x256xi32>
    %jit3A_1079 = arith.constant 0x7F800000 : f32
    %broadcast_in_dim3A_1080 = vector.broadcast %jit3A_1079 : f32 to vector<1024x256xf32>
    %select_n3A_1081 = arith.select %eq3A_1078, %broadcast_in_dim3A_1080, %select_n3A_1049 : vector<1024x256xi1>, vector<1024x256xf32>
    %reduce_min3A_1082 = arith.constant dense<0x7F800000> : vector<1024xf32>
    %reduce_min3A_1083 = vector.multi_reduction <minimumf>, %select_n3A_1081, %reduce_min3A_1082 [1] : vector<1024x256xf32> to vector<1024xf32>
    %broadcast_in_dim3A_1084 = vector.shape_cast %reduce_min3A_1083 : vector<1024xf32> to vector<1024x1xf32>
    %eq3A_1085 = vector.broadcast %broadcast_in_dim3A_1084 : vector<1024x1xf32> to vector<1024x256xf32>
    %eq3A_1086 = arith.cmpf oeq, %select_n3A_1081, %eq3A_1085 : vector<1024x256xf32>
    %jit3A_1087 = arith.constant 1073741824 : i32
    %broadcast_in_dim3A_1088 = vector.broadcast %jit3A_1087 : i32 to vector<1024x256xi32>
    %select_n3A_1089 = arith.select %eq3A_1086, %concatenate3A_1018, %broadcast_in_dim3A_1088 : vector<1024x256xi1>, vector<1024x256xi32>
    %reduce_min3A_1090 = arith.constant dense<2147483647> : vector<1024xi32>
    %reduce_min3A_1091 = vector.multi_reduction <minsi>, %select_n3A_1089, %reduce_min3A_1090 [1] : vector<1024x256xi32> to vector<1024xi32>
    %broadcast_in_dim3A_1092 = vector.shape_cast %reduce_min3A_1091 : vector<1024xi32> to vector<1024x1xi32>
    %eq3A_1093 = vector.broadcast %broadcast_in_dim3A_1084 : vector<1024x1xf32> to vector<1024x256xf32>
    %eq3A_1094 = arith.cmpf oeq, %select_n3A_1081, %eq3A_1093 : vector<1024x256xf32>
    %eq3A_1095 = vector.broadcast %broadcast_in_dim3A_1092 : vector<1024x1xi32> to vector<1024x256xi32>
    %eq3A_1096 = arith.cmpi eq, %concatenate3A_1018, %eq3A_1095 : vector<1024x256xi32>
    %and3A_1097 = arith.andi %eq3A_1094, %eq3A_1096 : vector<1024x256xi1>
    %jit3A_1098 = arith.constant 1073741824 : i32
    %broadcast_in_dim3A_1099 = vector.shape_cast %iota3A_1019 : vector<1x256xi32> to vector<1x256xi32>
    %broadcast_in_dim3A_1100 = vector.broadcast %broadcast_in_dim3A_1099 : vector<1x256xi32> to vector<1024x256xi32>
    %broadcast_in_dim3A_1101 = vector.broadcast %jit3A_1098 : i32 to vector<1024x256xi32>
    %select_n3A_1102 = arith.select %and3A_1097, %broadcast_in_dim3A_1100, %broadcast_in_dim3A_1101 : vector<1024x256xi1>, vector<1024x256xi32>
    %reduce_min3A_1103 = arith.constant dense<2147483647> : vector<1024xi32>
    %reduce_min3A_1104 = vector.multi_reduction <minsi>, %select_n3A_1102, %reduce_min3A_1103 [1] : vector<1024x256xi32> to vector<1024xi32>
    %broadcast_in_dim3A_1105 = vector.shape_cast %reduce_min3A_1104 : vector<1024xi32> to vector<1024x1xi32>
    %add3A_1106 = vector.broadcast %mul3A_1021 : i32 to vector<1024x1xi32>
    %add3A_1107 = arith.addi %add3A_1106, %broadcast_in_dim3A_1092 : vector<1024x1xi32>
    %eq3A_1108 = vector.broadcast %iota3A_1019 : vector<1x256xi32> to vector<1024x256xi32>
    %eq3A_1109 = vector.broadcast %broadcast_in_dim3A_1105 : vector<1024x1xi32> to vector<1024x256xi32>
    %eq3A_1110 = arith.cmpi eq, %eq3A_1108, %eq3A_1109 : vector<1024x256xi32>
    %jit3A_1111 = arith.constant 0x7F800000 : f32
    %broadcast_in_dim3A_1112 = vector.broadcast %jit3A_1111 : f32 to vector<1024x256xf32>
    %select_n3A_1113 = arith.select %eq3A_1110, %broadcast_in_dim3A_1112, %select_n3A_1081 : vector<1024x256xi1>, vector<1024x256xf32>
    %reduce_min3A_1114 = arith.constant dense<0x7F800000> : vector<1024xf32>
    %reduce_min3A_1115 = vector.multi_reduction <minimumf>, %select_n3A_1113, %reduce_min3A_1114 [1] : vector<1024x256xf32> to vector<1024xf32>
    %broadcast_in_dim3A_1116 = vector.shape_cast %reduce_min3A_1115 : vector<1024xf32> to vector<1024x1xf32>
    %eq3A_1117 = vector.broadcast %broadcast_in_dim3A_1116 : vector<1024x1xf32> to vector<1024x256xf32>
    %eq3A_1118 = arith.cmpf oeq, %select_n3A_1113, %eq3A_1117 : vector<1024x256xf32>
    %jit3A_1119 = arith.constant 1073741824 : i32
    %broadcast_in_dim3A_1120 = vector.broadcast %jit3A_1119 : i32 to vector<1024x256xi32>
    %select_n3A_1121 = arith.select %eq3A_1118, %concatenate3A_1018, %broadcast_in_dim3A_1120 : vector<1024x256xi1>, vector<1024x256xi32>
    %reduce_min3A_1122 = arith.constant dense<2147483647> : vector<1024xi32>
    %reduce_min3A_1123 = vector.multi_reduction <minsi>, %select_n3A_1121, %reduce_min3A_1122 [1] : vector<1024x256xi32> to vector<1024xi32>
    %broadcast_in_dim3A_1124 = vector.shape_cast %reduce_min3A_1123 : vector<1024xi32> to vector<1024x1xi32>
    %add3A_1125 = vector.broadcast %mul3A_1021 : i32 to vector<1024x1xi32>
    %add3A_1126 = arith.addi %add3A_1125, %broadcast_in_dim3A_1124 : vector<1024x1xi32>
    %concatenate3A_1127 = tpu.concatenate %broadcast_in_dim3A_1023, %broadcast_in_dim3A_1052, %broadcast_in_dim3A_1084, %broadcast_in_dim3A_1116 in 1 : vector<1024x1xf32>, vector<1024x1xf32>, vector<1024x1xf32>, vector<1024x1xf32> -> vector<1024x4xf32>
    %broadcast_in_dim3A_1128 = vector.shape_cast %concatenate3A_1127 : vector<1024x4xf32> to vector<1x1024x4xf32>
    %swap3A = arith.constant 0 : index
    %swap3A_1129 = arith.constant 0 : index
    %swap3A_1130 = arith.constant 0 : index
    %swap3A_1131 = vector.load %arg3[%swap3A, %swap3A_1129, %swap3A_1130] : memref<1x1024x4xf32, #tpu.memory_space<vmem>>, vector<1x1024x4xf32>
    tpu.vector_store %arg3[%swap3A, %swap3A_1129, %swap3A_1130], %broadcast_in_dim3A_1128 {strides = array<i32>} : memref<1x1024x4xf32, #tpu.memory_space<vmem>>, vector<1x1024x4xf32>,
    %concatenate3A_1132 = tpu.concatenate %add3A_1043, %add3A_1075, %add3A_1107, %add3A_1126 in 1 : vector<1024x1xi32>, vector<1024x1xi32>, vector<1024x1xi32>, vector<1024x1xi32> -> vector<1024x4xi32>
    %broadcast_in_dim3A_1133 = vector.shape_cast %concatenate3A_1132 : vector<1024x4xi32> to vector<1x1024x4xi32>
    %swap3A_1134 = arith.constant 0 : index
    %swap3A_1135 = arith.constant 0 : index
    %swap3A_1136 = arith.constant 0 : index
    %swap3A_1137 = vector.load %arg4[%swap3A_1134, %swap3A_1135, %swap3A_1136] : memref<1x1024x4xi32, #tpu.memory_space<vmem>>, vector<1x1024x4xi32>
    tpu.vector_store %arg4[%swap3A_1134, %swap3A_1135, %swap3A_1136], %broadcast_in_dim3A_1133 {strides = array<i32>} : memref<1x1024x4xi32, #tpu.memory_space<vmem>>, vector<1x1024x4xi32>,
    return
  }
  func.func @transform_0(%arg0: i32) -> (i32, i32) {
    %c0_i32 = arith.constant 0 : i32
    %c0_i32_0 = arith.constant 0 : i32
    %c0_i32_1 = arith.constant 0 : i32
    return %c0_i32, %c0_i32_0 : i32, i32
  }
  func.func @transform_1(%arg0: i32) -> (i32, i32) {
    %c0_i32 = arith.constant 0 : i32
    %c0_i32_0 = arith.constant 0 : i32
    return %c0_i32, %arg0 : i32, i32
  }
  func.func @transform_2(%arg0: i32) -> (i32, i32, i32) {
    %c0_i32 = arith.constant 0 : i32
    %c0_i32_0 = arith.constant 0 : i32
    %c0_i32_1 = arith.constant 0 : i32
    return %arg0, %c0_i32, %c0_i32_0 : i32, i32, i32
  }
  func.func @transform_3(%arg0: i32) -> (i32, i32, i32) {
    %c0_i32 = arith.constant 0 : i32
    %c0_i32_0 = arith.constant 0 : i32
    %c0_i32_1 = arith.constant 0 : i32
    return %arg0, %c0_i32, %c0_i32_0 : i32, i32, i32
  }
}

module attributes {stable_mosaic.version = 14 : i64} {
  func.func @_merge_kernel(%arg0: memref<1024x52xf32, #tpu.memory_space<vmem>>, %arg1: memref<1024x52xi32, #tpu.memory_space<vmem>>, %arg2: memref<1024x8xi32, #tpu.memory_space<vmem>>) attributes {dimension_semantics = [], scalar_prefetch = 0 : i64, scratch_operands = 0 : i64, tpu.core_type = #tpu.core_type<tc>} {
    %get3A = arith.constant 0 : index
    %get3A_0 = arith.constant 0 : index
    %get3A_1 = vector.load %arg0[%get3A, %get3A_0] : memref<1024x52xf32, #tpu.memory_space<vmem>>, vector<1024x52xf32>
    %get3A_2 = arith.constant 0 : index
    %get3A_3 = arith.constant 0 : index
    %get3A_4 = vector.load %arg1[%get3A_2, %get3A_3] : memref<1024x52xi32, #tpu.memory_space<vmem>>, vector<1024x52xi32>
    %iota3A = tpu.iota {dimensions = array<i32: 1>} : vector<1x52xi32>
    %reduce_min3A = arith.constant dense<0x7F800000> : vector<1024xf32>
    %reduce_min3A_5 = vector.multi_reduction <minimumf>, %get3A_1, %reduce_min3A [1] : vector<1024x52xf32> to vector<1024xf32>
    %broadcast_in_dim3A = vector.shape_cast %reduce_min3A_5 : vector<1024xf32> to vector<1024x1xf32>
    %eq3A = vector.broadcast %broadcast_in_dim3A : vector<1024x1xf32> to vector<1024x52xf32>
    %eq3A_6 = arith.cmpf oeq, %get3A_1, %eq3A : vector<1024x52xf32>
    %jit3A = arith.constant 1073741824 : i32
    %broadcast_in_dim3A_7 = vector.broadcast %jit3A : i32 to vector<1024x52xi32>
    %select_n3A = arith.select %eq3A_6, %get3A_4, %broadcast_in_dim3A_7 : vector<1024x52xi1>, vector<1024x52xi32>
    %reduce_min3A_8 = arith.constant dense<2147483647> : vector<1024xi32>
    %reduce_min3A_9 = vector.multi_reduction <minsi>, %select_n3A, %reduce_min3A_8 [1] : vector<1024x52xi32> to vector<1024xi32>
    %broadcast_in_dim3A_10 = vector.shape_cast %reduce_min3A_9 : vector<1024xi32> to vector<1024x1xi32>
    %eq3A_11 = vector.broadcast %broadcast_in_dim3A : vector<1024x1xf32> to vector<1024x52xf32>
    %eq3A_12 = arith.cmpf oeq, %get3A_1, %eq3A_11 : vector<1024x52xf32>
    %eq3A_13 = vector.broadcast %broadcast_in_dim3A_10 : vector<1024x1xi32> to vector<1024x52xi32>
    %eq3A_14 = arith.cmpi eq, %get3A_4, %eq3A_13 : vector<1024x52xi32>
    %and3A = arith.andi %eq3A_12, %eq3A_14 : vector<1024x52xi1>
    %jit3A_15 = arith.constant 1073741824 : i32
    %broadcast_in_dim3A_16 = vector.shape_cast %iota3A : vector<1x52xi32> to vector<1x52xi32>
    %broadcast_in_dim3A_17 = vector.broadcast %broadcast_in_dim3A_16 : vector<1x52xi32> to vector<1024x52xi32>
    %broadcast_in_dim3A_18 = vector.broadcast %jit3A_15 : i32 to vector<1024x52xi32>
    %select_n3A_19 = arith.select %and3A, %broadcast_in_dim3A_17, %broadcast_in_dim3A_18 : vector<1024x52xi1>, vector<1024x52xi32>
    %reduce_min3A_20 = arith.constant dense<2147483647> : vector<1024xi32>
    %reduce_min3A_21 = vector.multi_reduction <minsi>, %select_n3A_19, %reduce_min3A_20 [1] : vector<1024x52xi32> to vector<1024xi32>
    %broadcast_in_dim3A_22 = vector.shape_cast %reduce_min3A_21 : vector<1024xi32> to vector<1024x1xi32>
    %eq3A_23 = vector.broadcast %iota3A : vector<1x52xi32> to vector<1024x52xi32>
    %eq3A_24 = vector.broadcast %broadcast_in_dim3A_22 : vector<1024x1xi32> to vector<1024x52xi32>
    %eq3A_25 = arith.cmpi eq, %eq3A_23, %eq3A_24 : vector<1024x52xi32>
    %jit3A_26 = arith.constant 0x7F800000 : f32
    %broadcast_in_dim3A_27 = vector.broadcast %jit3A_26 : f32 to vector<1024x52xf32>
    %select_n3A_28 = arith.select %eq3A_25, %broadcast_in_dim3A_27, %get3A_1 : vector<1024x52xi1>, vector<1024x52xf32>
    %reduce_min3A_29 = arith.constant dense<0x7F800000> : vector<1024xf32>
    %reduce_min3A_30 = vector.multi_reduction <minimumf>, %select_n3A_28, %reduce_min3A_29 [1] : vector<1024x52xf32> to vector<1024xf32>
    %broadcast_in_dim3A_31 = vector.shape_cast %reduce_min3A_30 : vector<1024xf32> to vector<1024x1xf32>
    %eq3A_32 = vector.broadcast %broadcast_in_dim3A_31 : vector<1024x1xf32> to vector<1024x52xf32>
    %eq3A_33 = arith.cmpf oeq, %select_n3A_28, %eq3A_32 : vector<1024x52xf32>
    %jit3A_34 = arith.constant 1073741824 : i32
    %broadcast_in_dim3A_35 = vector.broadcast %jit3A_34 : i32 to vector<1024x52xi32>
    %select_n3A_36 = arith.select %eq3A_33, %get3A_4, %broadcast_in_dim3A_35 : vector<1024x52xi1>, vector<1024x52xi32>
    %reduce_min3A_37 = arith.constant dense<2147483647> : vector<1024xi32>
    %reduce_min3A_38 = vector.multi_reduction <minsi>, %select_n3A_36, %reduce_min3A_37 [1] : vector<1024x52xi32> to vector<1024xi32>
    %broadcast_in_dim3A_39 = vector.shape_cast %reduce_min3A_38 : vector<1024xi32> to vector<1024x1xi32>
    %eq3A_40 = vector.broadcast %broadcast_in_dim3A_31 : vector<1024x1xf32> to vector<1024x52xf32>
    %eq3A_41 = arith.cmpf oeq, %select_n3A_28, %eq3A_40 : vector<1024x52xf32>
    %eq3A_42 = vector.broadcast %broadcast_in_dim3A_39 : vector<1024x1xi32> to vector<1024x52xi32>
    %eq3A_43 = arith.cmpi eq, %get3A_4, %eq3A_42 : vector<1024x52xi32>
    %and3A_44 = arith.andi %eq3A_41, %eq3A_43 : vector<1024x52xi1>
    %jit3A_45 = arith.constant 1073741824 : i32
    %broadcast_in_dim3A_46 = vector.shape_cast %iota3A : vector<1x52xi32> to vector<1x52xi32>
    %broadcast_in_dim3A_47 = vector.broadcast %broadcast_in_dim3A_46 : vector<1x52xi32> to vector<1024x52xi32>
    %broadcast_in_dim3A_48 = vector.broadcast %jit3A_45 : i32 to vector<1024x52xi32>
    %select_n3A_49 = arith.select %and3A_44, %broadcast_in_dim3A_47, %broadcast_in_dim3A_48 : vector<1024x52xi1>, vector<1024x52xi32>
    %reduce_min3A_50 = arith.constant dense<2147483647> : vector<1024xi32>
    %reduce_min3A_51 = vector.multi_reduction <minsi>, %select_n3A_49, %reduce_min3A_50 [1] : vector<1024x52xi32> to vector<1024xi32>
    %broadcast_in_dim3A_52 = vector.shape_cast %reduce_min3A_51 : vector<1024xi32> to vector<1024x1xi32>
    %eq3A_53 = vector.broadcast %iota3A : vector<1x52xi32> to vector<1024x52xi32>
    %eq3A_54 = vector.broadcast %broadcast_in_dim3A_52 : vector<1024x1xi32> to vector<1024x52xi32>
    %eq3A_55 = arith.cmpi eq, %eq3A_53, %eq3A_54 : vector<1024x52xi32>
    %jit3A_56 = arith.constant 0x7F800000 : f32
    %broadcast_in_dim3A_57 = vector.broadcast %jit3A_56 : f32 to vector<1024x52xf32>
    %select_n3A_58 = arith.select %eq3A_55, %broadcast_in_dim3A_57, %select_n3A_28 : vector<1024x52xi1>, vector<1024x52xf32>
    %reduce_min3A_59 = arith.constant dense<0x7F800000> : vector<1024xf32>
    %reduce_min3A_60 = vector.multi_reduction <minimumf>, %select_n3A_58, %reduce_min3A_59 [1] : vector<1024x52xf32> to vector<1024xf32>
    %broadcast_in_dim3A_61 = vector.shape_cast %reduce_min3A_60 : vector<1024xf32> to vector<1024x1xf32>
    %eq3A_62 = vector.broadcast %broadcast_in_dim3A_61 : vector<1024x1xf32> to vector<1024x52xf32>
    %eq3A_63 = arith.cmpf oeq, %select_n3A_58, %eq3A_62 : vector<1024x52xf32>
    %jit3A_64 = arith.constant 1073741824 : i32
    %broadcast_in_dim3A_65 = vector.broadcast %jit3A_64 : i32 to vector<1024x52xi32>
    %select_n3A_66 = arith.select %eq3A_63, %get3A_4, %broadcast_in_dim3A_65 : vector<1024x52xi1>, vector<1024x52xi32>
    %reduce_min3A_67 = arith.constant dense<2147483647> : vector<1024xi32>
    %reduce_min3A_68 = vector.multi_reduction <minsi>, %select_n3A_66, %reduce_min3A_67 [1] : vector<1024x52xi32> to vector<1024xi32>
    %broadcast_in_dim3A_69 = vector.shape_cast %reduce_min3A_68 : vector<1024xi32> to vector<1024x1xi32>
    %eq3A_70 = vector.broadcast %broadcast_in_dim3A_61 : vector<1024x1xf32> to vector<1024x52xf32>
    %eq3A_71 = arith.cmpf oeq, %select_n3A_58, %eq3A_70 : vector<1024x52xf32>
    %eq3A_72 = vector.broadcast %broadcast_in_dim3A_69 : vector<1024x1xi32> to vector<1024x52xi32>
    %eq3A_73 = arith.cmpi eq, %get3A_4, %eq3A_72 : vector<1024x52xi32>
    %and3A_74 = arith.andi %eq3A_71, %eq3A_73 : vector<1024x52xi1>
    %jit3A_75 = arith.constant 1073741824 : i32
    %broadcast_in_dim3A_76 = vector.shape_cast %iota3A : vector<1x52xi32> to vector<1x52xi32>
    %broadcast_in_dim3A_77 = vector.broadcast %broadcast_in_dim3A_76 : vector<1x52xi32> to vector<1024x52xi32>
    %broadcast_in_dim3A_78 = vector.broadcast %jit3A_75 : i32 to vector<1024x52xi32>
    %select_n3A_79 = arith.select %and3A_74, %broadcast_in_dim3A_77, %broadcast_in_dim3A_78 : vector<1024x52xi1>, vector<1024x52xi32>
    %reduce_min3A_80 = arith.constant dense<2147483647> : vector<1024xi32>
    %reduce_min3A_81 = vector.multi_reduction <minsi>, %select_n3A_79, %reduce_min3A_80 [1] : vector<1024x52xi32> to vector<1024xi32>
    %broadcast_in_dim3A_82 = vector.shape_cast %reduce_min3A_81 : vector<1024xi32> to vector<1024x1xi32>
    %eq3A_83 = vector.broadcast %iota3A : vector<1x52xi32> to vector<1024x52xi32>
    %eq3A_84 = vector.broadcast %broadcast_in_dim3A_82 : vector<1024x1xi32> to vector<1024x52xi32>
    %eq3A_85 = arith.cmpi eq, %eq3A_83, %eq3A_84 : vector<1024x52xi32>
    %jit3A_86 = arith.constant 0x7F800000 : f32
    %broadcast_in_dim3A_87 = vector.broadcast %jit3A_86 : f32 to vector<1024x52xf32>
    %select_n3A_88 = arith.select %eq3A_85, %broadcast_in_dim3A_87, %select_n3A_58 : vector<1024x52xi1>, vector<1024x52xf32>
    %reduce_min3A_89 = arith.constant dense<0x7F800000> : vector<1024xf32>
    %reduce_min3A_90 = vector.multi_reduction <minimumf>, %select_n3A_88, %reduce_min3A_89 [1] : vector<1024x52xf32> to vector<1024xf32>
    %broadcast_in_dim3A_91 = vector.shape_cast %reduce_min3A_90 : vector<1024xf32> to vector<1024x1xf32>
    %eq3A_92 = vector.broadcast %broadcast_in_dim3A_91 : vector<1024x1xf32> to vector<1024x52xf32>
    %eq3A_93 = arith.cmpf oeq, %select_n3A_88, %eq3A_92 : vector<1024x52xf32>
    %jit3A_94 = arith.constant 1073741824 : i32
    %broadcast_in_dim3A_95 = vector.broadcast %jit3A_94 : i32 to vector<1024x52xi32>
    %select_n3A_96 = arith.select %eq3A_93, %get3A_4, %broadcast_in_dim3A_95 : vector<1024x52xi1>, vector<1024x52xi32>
    %reduce_min3A_97 = arith.constant dense<2147483647> : vector<1024xi32>
    %reduce_min3A_98 = vector.multi_reduction <minsi>, %select_n3A_96, %reduce_min3A_97 [1] : vector<1024x52xi32> to vector<1024xi32>
    %broadcast_in_dim3A_99 = vector.shape_cast %reduce_min3A_98 : vector<1024xi32> to vector<1024x1xi32>
    %broadcast_in_dim3A_100 = arith.constant 1073741824 : i32
    %broadcast_in_dim3A_101 = vector.broadcast %broadcast_in_dim3A_100 : i32 to vector<1024x1xi32>
    %concatenate3A = tpu.concatenate %broadcast_in_dim3A_10, %broadcast_in_dim3A_39, %broadcast_in_dim3A_69, %broadcast_in_dim3A_99, %broadcast_in_dim3A_101, %broadcast_in_dim3A_101, %broadcast_in_dim3A_101, %broadcast_in_dim3A_101 in 1 : vector<1024x1xi32>, vector<1024x1xi32>, vector<1024x1xi32>, vector<1024x1xi32>, vector<1024x1xi32>, vector<1024x1xi32>, vector<1024x1xi32>, vector<1024x1xi32> -> vector<1024x8xi32>
    %swap3A = arith.constant 0 : index
    %swap3A_102 = arith.constant 0 : index
    %swap3A_103 = vector.load %arg2[%swap3A, %swap3A_102] : memref<1024x8xi32, #tpu.memory_space<vmem>>, vector<1024x8xi32>
    tpu.vector_store %arg2[%swap3A, %swap3A_102], %concatenate3A {strides = array<i32>} : memref<1024x8xi32, #tpu.memory_space<vmem>>, vector<1024x8xi32>,
    return
  }
}

module attributes {stable_mosaic.version = 14 : i64} {
  func.func @_forecast_kernel(%arg0: memref<50x1024x8xf32, #tpu.memory_space<vmem>>, %arg1: memref<1024x50xf32, #tpu.memory_space<vmem>>, %arg2: memref<1024x32xf32, #tpu.memory_space<vmem>>, %arg3: memref<8x192xf32, #tpu.memory_space<vmem>>, %arg4: memref<64x192xf32, #tpu.memory_space<vmem>>, %arg5: memref<1x192xf32, #tpu.memory_space<vmem>>, %arg6: memref<1x192xf32, #tpu.memory_space<vmem>>, %arg7: memref<64x8xf32, #tpu.memory_space<vmem>>, %arg8: memref<1x8xf32, #tpu.memory_space<vmem>>, %arg9: memref<32x8xf32, #tpu.memory_space<vmem>>, %arg10: memref<1x8xf32, #tpu.memory_space<vmem>>, %arg11: memref<50x32xf32, #tpu.memory_space<vmem>>, %arg12: memref<1x32xf32, #tpu.memory_space<vmem>>, %arg13: memref<32x8xf32, #tpu.memory_space<vmem>>, %arg14: memref<1x8xf32, #tpu.memory_space<vmem>>, %arg15: memref<1024x8xf32, #tpu.memory_space<vmem>>) attributes {dimension_semantics = [], scalar_prefetch = 0 : i64, scratch_operands = 0 : i64, tpu.core_type = #tpu.core_type<tc>} {
    %get3A = arith.constant 0 : index
    %get3A_0 = arith.constant 0 : index
    %get3A_1 = vector.load %arg3[%get3A, %get3A_0] : memref<8x192xf32, #tpu.memory_space<vmem>>, vector<8x192xf32>
    %get3A_2 = arith.constant 0 : index
    %get3A_3 = arith.constant 0 : index
    %get3A_4 = vector.load %arg4[%get3A_2, %get3A_3] : memref<64x192xf32, #tpu.memory_space<vmem>>, vector<64x192xf32>
    %get3A_5 = arith.constant 0 : index
    %get3A_6 = arith.constant 0 : index
    %get3A_7 = vector.load %arg5[%get3A_5, %get3A_6] : memref<1x192xf32, #tpu.memory_space<vmem>>, vector<1x192xf32>
    %get3A_8 = arith.constant 0 : index
    %get3A_9 = arith.constant 0 : index
    %get3A_10 = vector.load %arg6[%get3A_8, %get3A_9] : memref<1x192xf32, #tpu.memory_space<vmem>>, vector<1x192xf32>
    %broadcast_in_dim3A = arith.constant 0.000000e+00 : f32
    %broadcast_in_dim3A_11 = vector.broadcast %broadcast_in_dim3A : f32 to vector<1024x64xf32>
    %scan3A = arith.constant 0 : i32
    %scan3A_12 = arith.constant 50 : i32
    %scan3A_13 = arith.addi %scan3A, %scan3A_12 : i32
    %scan3A_14 = arith.constant 1 : i32
    %scan3A_15 = scf.for %scan3A_69 = %scan3A to %scan3A_13 step %scan3A_14 iter_args(%scan3A_70 = %broadcast_in_dim3A_11) -> (vector<1024x64xf32>)  : i32 {
      %get3A_71 = arith.index_cast %scan3A_69 : i32 to index
      %get3A_72 = arith.constant 0 : index
      %get3A_73 = arith.constant 0 : index
      %get3A_74 = vector.load %arg0[%get3A_71, %get3A_72, %get3A_73] : memref<50x1024x8xf32, #tpu.memory_space<vmem>>, vector<1x1024x8xf32>
      %get3A_75 = vector.shape_cast %get3A_74 : vector<1x1024x8xf32> to vector<1024x8xf32>
      %dot_general3A_76 = arith.constant dense<0.000000e+00> : vector<1024x192xf32>
      %dot_general3A_77 = tpu.matmul %get3A_75, %get3A_1, %dot_general3A_76 {dimension_numbers = #tpu.dot_dimension_numbers<[1], [0], [0], [1], [0, 0, 1, 1], [], []>, transpose_lhs_hint = false} : vector<1024x8xf32>, vector<8x192xf32>, vector<1024x192xf32> -> vector<1024x192xf32>
      %add3A_78 = vector.broadcast %get3A_7 : vector<1x192xf32> to vector<1024x192xf32>
      %add3A_79 = arith.addf %dot_general3A_77, %add3A_78 : vector<1024x192xf32>
      %dot_general3A_80 = arith.constant dense<0.000000e+00> : vector<1024x192xf32>
      %dot_general3A_81 = tpu.matmul %scan3A_70, %get3A_4, %dot_general3A_80 {dimension_numbers = #tpu.dot_dimension_numbers<[1], [0], [0], [1], [0, 0, 1, 1], [], []>, transpose_lhs_hint = false} : vector<1024x64xf32>, vector<64x192xf32>, vector<1024x192xf32> -> vector<1024x192xf32>
      %add3A_82 = vector.broadcast %get3A_10 : vector<1x192xf32> to vector<1024x192xf32>
      %add3A_83 = arith.addf %dot_general3A_81, %add3A_82 : vector<1024x192xf32>
      %slice3A = vector.extract_strided_slice %add3A_79 {offsets = [0, 0], sizes = [1024, 64], strides = [1, 1]} : vector<1024x192xf32> to vector<1024x64xf32>
      %slice3A_84 = vector.extract_strided_slice %add3A_83 {offsets = [0, 0], sizes = [1024, 64], strides = [1, 1]} : vector<1024x192xf32> to vector<1024x64xf32>
      %add3A_85 = arith.addf %slice3A, %slice3A_84 : vector<1024x64xf32>
      %logistic3A_86 = arith.negf %add3A_85 : vector<1024x64xf32>
      %logistic3A_87 = math.exp %logistic3A_86 : vector<1024x64xf32>
      %logistic3A_88 = arith.constant 1.000000e+00 : f32
      %logistic3A_89 = vector.broadcast %logistic3A_88 : f32 to vector<1024x64xf32>
      %logistic3A_90 = arith.addf %logistic3A_89, %logistic3A_87 : vector<1024x64xf32>
      %logistic3A_91 = arith.divf %logistic3A_89, %logistic3A_90 : vector<1024x64xf32>
      %slice3A_92 = vector.extract_strided_slice %add3A_79 {offsets = [0, 64], sizes = [1024, 64], strides = [1, 1]} : vector<1024x192xf32> to vector<1024x64xf32>
      %slice3A_93 = vector.extract_strided_slice %add3A_83 {offsets = [0, 64], sizes = [1024, 64], strides = [1, 1]} : vector<1024x192xf32> to vector<1024x64xf32>
      %add3A_94 = arith.addf %slice3A_92, %slice3A_93 : vector<1024x64xf32>
      %logistic3A_95 = arith.negf %add3A_94 : vector<1024x64xf32>
      %logistic3A_96 = math.exp %logistic3A_95 : vector<1024x64xf32>
      %logistic3A_97 = arith.constant 1.000000e+00 : f32
      %logistic3A_98 = vector.broadcast %logistic3A_97 : f32 to vector<1024x64xf32>
      %logistic3A_99 = arith.addf %logistic3A_98, %logistic3A_96 : vector<1024x64xf32>
      %logistic3A_100 = arith.divf %logistic3A_98, %logistic3A_99 : vector<1024x64xf32>
      %slice3A_101 = vector.extract_strided_slice %add3A_79 {offsets = [0, 128], sizes = [1024, 64], strides = [1, 1]} : vector<1024x192xf32> to vector<1024x64xf32>
      %slice3A_102 = vector.extract_strided_slice %add3A_83 {offsets = [0, 128], sizes = [1024, 64], strides = [1, 1]} : vector<1024x192xf32> to vector<1024x64xf32>
      %mul3A_103 = arith.mulf %logistic3A_91, %slice3A_102 : vector<1024x64xf32>
      %add3A_104 = arith.addf %slice3A_101, %mul3A_103 : vector<1024x64xf32>
      %tanh3A_105 = math.tanh %add3A_104 : vector<1024x64xf32>
      %sub3A = arith.constant 1.000000e+00 : f32
      %sub3A_106 = vector.broadcast %sub3A : f32 to vector<1024x64xf32>
      %sub3A_107 = arith.subf %sub3A_106, %logistic3A_100 : vector<1024x64xf32>
      %mul3A_108 = arith.mulf %sub3A_107, %tanh3A_105 : vector<1024x64xf32>
      %mul3A_109 = arith.mulf %logistic3A_100, %scan3A_70 : vector<1024x64xf32>
      %add3A_110 = arith.addf %mul3A_108, %mul3A_109 : vector<1024x64xf32>
      scf.yield %add3A_110 : vector<1024x64xf32>
    }
    %scan3A_16 = arith.constant 50 : i32
    %get3A_17 = arith.constant 0 : index
    %get3A_18 = arith.constant 0 : index
    %get3A_19 = vector.load %arg1[%get3A_17, %get3A_18] : memref<1024x50xf32, #tpu.memory_space<vmem>>, vector<1024x50xf32>
    %get3A_20 = arith.constant 0 : index
    %get3A_21 = arith.constant 0 : index
    %get3A_22 = vector.load %arg2[%get3A_20, %get3A_21] : memref<1024x32xf32, #tpu.memory_space<vmem>>, vector<1024x32xf32>
    %get3A_23 = arith.constant 0 : index
    %get3A_24 = arith.constant 0 : index
    %get3A_25 = vector.load %arg11[%get3A_23, %get3A_24] : memref<50x32xf32, #tpu.memory_space<vmem>>, vector<50x32xf32>
    %dot_general3A = arith.constant dense<0.000000e+00> : vector<1024x32xf32>
    %dot_general3A_26 = tpu.matmul %get3A_19, %get3A_25, %dot_general3A {dimension_numbers = #tpu.dot_dimension_numbers<[1], [0], [0], [1], [0, 0, 1, 1], [], []>, transpose_lhs_hint = false} : vector<1024x50xf32>, vector<50x32xf32>, vector<1024x32xf32> -> vector<1024x32xf32>
    %get3A_27 = arith.constant 0 : index
    %get3A_28 = arith.constant 0 : index
    %get3A_29 = vector.load %arg12[%get3A_27, %get3A_28] : memref<1x32xf32, #tpu.memory_space<vmem>>, vector<1x32xf32>
    %add3A = vector.broadcast %get3A_29 : vector<1x32xf32> to vector<1024x32xf32>
    %add3A_30 = arith.addf %dot_general3A_26, %add3A : vector<1024x32xf32>
    %tanh3A = math.tanh %add3A_30 : vector<1024x32xf32>
    %get3A_31 = arith.constant 0 : index
    %get3A_32 = arith.constant 0 : index
    %get3A_33 = vector.load %arg13[%get3A_31, %get3A_32] : memref<32x8xf32, #tpu.memory_space<vmem>>, vector<32x8xf32>
    %dot_general3A_34 = arith.constant dense<0.000000e+00> : vector<1024x8xf32>
    %dot_general3A_35 = tpu.matmul %tanh3A, %get3A_33, %dot_general3A_34 {dimension_numbers = #tpu.dot_dimension_numbers<[1], [0], [0], [1], [0, 0, 1, 1], [], []>, transpose_lhs_hint = false} : vector<1024x32xf32>, vector<32x8xf32>, vector<1024x8xf32> -> vector<1024x8xf32>
    %get3A_36 = arith.constant 0 : index
    %get3A_37 = arith.constant 0 : index
    %get3A_38 = vector.load %arg14[%get3A_36, %get3A_37] : memref<1x8xf32, #tpu.memory_space<vmem>>, vector<1x8xf32>
    %add3A_39 = vector.broadcast %get3A_38 : vector<1x8xf32> to vector<1024x8xf32>
    %add3A_40 = arith.addf %dot_general3A_35, %add3A_39 : vector<1024x8xf32>
    %logistic3A = arith.negf %add3A_40 : vector<1024x8xf32>
    %logistic3A_41 = math.exp %logistic3A : vector<1024x8xf32>
    %logistic3A_42 = arith.constant 1.000000e+00 : f32
    %logistic3A_43 = vector.broadcast %logistic3A_42 : f32 to vector<1024x8xf32>
    %logistic3A_44 = arith.addf %logistic3A_43, %logistic3A_41 : vector<1024x8xf32>
    %logistic3A_45 = arith.divf %logistic3A_43, %logistic3A_44 : vector<1024x8xf32>
    %get3A_46 = arith.constant 0 : index
    %get3A_47 = arith.constant 0 : index
    %get3A_48 = vector.load %arg9[%get3A_46, %get3A_47] : memref<32x8xf32, #tpu.memory_space<vmem>>, vector<32x8xf32>
    %dot_general3A_49 = arith.constant dense<0.000000e+00> : vector<1024x8xf32>
    %dot_general3A_50 = tpu.matmul %get3A_22, %get3A_48, %dot_general3A_49 {dimension_numbers = #tpu.dot_dimension_numbers<[1], [0], [0], [1], [0, 0, 1, 1], [], []>, transpose_lhs_hint = false} : vector<1024x32xf32>, vector<32x8xf32>, vector<1024x8xf32> -> vector<1024x8xf32>
    %get3A_51 = arith.constant 0 : index
    %get3A_52 = arith.constant 0 : index
    %get3A_53 = vector.load %arg10[%get3A_51, %get3A_52] : memref<1x8xf32, #tpu.memory_space<vmem>>, vector<1x8xf32>
    %add3A_54 = vector.broadcast %get3A_53 : vector<1x8xf32> to vector<1024x8xf32>
    %add3A_55 = arith.addf %dot_general3A_50, %add3A_54 : vector<1024x8xf32>
    %get3A_56 = arith.constant 0 : index
    %get3A_57 = arith.constant 0 : index
    %get3A_58 = vector.load %arg7[%get3A_56, %get3A_57] : memref<64x8xf32, #tpu.memory_space<vmem>>, vector<64x8xf32>
    %dot_general3A_59 = arith.constant dense<0.000000e+00> : vector<1024x8xf32>
    %dot_general3A_60 = tpu.matmul %scan3A_15, %get3A_58, %dot_general3A_59 {dimension_numbers = #tpu.dot_dimension_numbers<[1], [0], [0], [1], [0, 0, 1, 1], [], []>, transpose_lhs_hint = false} : vector<1024x64xf32>, vector<64x8xf32>, vector<1024x8xf32> -> vector<1024x8xf32>
    %get3A_61 = arith.constant 0 : index
    %get3A_62 = arith.constant 0 : index
    %get3A_63 = vector.load %arg8[%get3A_61, %get3A_62] : memref<1x8xf32, #tpu.memory_space<vmem>>, vector<1x8xf32>
    %add3A_64 = vector.broadcast %get3A_63 : vector<1x8xf32> to vector<1024x8xf32>
    %add3A_65 = arith.addf %dot_general3A_60, %add3A_64 : vector<1024x8xf32>
    %mul3A = arith.mulf %logistic3A_45, %add3A_55 : vector<1024x8xf32>
    %add3A_66 = arith.addf %add3A_65, %mul3A : vector<1024x8xf32>
    %swap3A = arith.constant 0 : index
    %swap3A_67 = arith.constant 0 : index
    %swap3A_68 = vector.load %arg15[%swap3A, %swap3A_67] : memref<1024x8xf32, #tpu.memory_space<vmem>>, vector<1024x8xf32>
    tpu.vector_store %arg15[%swap3A, %swap3A_67], %add3A_66 {strides = array<i32>} : memref<1024x8xf32, #tpu.memory_space<vmem>>, vector<1024x8xf32>,
    return
  }
}

</mosaic_0001>

<sc_bundles>
// kernel: kernel.6.cloned.1.call-start
scs
__scs_entry_jumppad:
0x0: {  	(pc) =	sbr.rel $0x88, $3  }
0x1: {  	(tag) =	ssettag $0x0;
	lr =	simm.s32 $0x1  }
0x2: {  	[smem:$0x3F92] =	sst lr;
	_ =	strace $0xD0000000  }
0x3: {  	_ = 	snop  }
0x4: {  	_ = 	snop  }
0x5: {  	_ = 	snop  }
0x6: {  	_ = 	snop  }
0x7: {  	_ = 	snop  }
__scs_overlays_trampoline_lowered:
0x8: {  	[smem:$0x3FA1] =	sst s0  }
0x9: {  	[smem:$0x3FA2] =	sst s1  }
0xa: {  	[smem:$0x3FA3] =	sst s2  }
0xb: {  	[smem:$0x3FA4] =	sst s3  }
0xc: {  	[smem:$0x3FA5] =	sst s4  }
0xd: {  	[smem:$0x3FA6] =	sst s5  }
0xe: {  	[smem:$0x3FA7] =	sst s6  }
0xf: {  	[smem:$0x3FA8] =	sst s7  }
0x10: {  	[smem:$0x3FA9] =	sst s8  }
0x11: {  	[smem:$0x3FAA] =	sst s9;
	s0 =	simm.s32 @!p0 $0x0  }
0x12: {  	s1 =	sld [smem:$0x3F90];
	s0 =	simm.s32 @p0 $0x1  }
0x13: {  	[smem:$0x3FAB] =	sst s0;
	s0 =	simm.s32 @!p1 $0x0  }
0x14: {  	s2 =	sld [smem:$0x3F8F];
	s0 =	simm.s32 @p1 $0x1  }
0x15: {  	[smem:$0x3FAC] =	sst s0;
	s0 =	simm.s32 @!p2 $0x0  }
0x16: {  	s3 =	sld [smem:$0x3FDB];
	s0 =	simm.s32 @p2 $0x1  }
0x17: {  	s4 =	simm.s32 $0x1BF5;
	[smem:$0x3FAE] =	sst s0  }
0x18: {  	s0 =	sld [smem:$0x3F91];
	_ =	swait.ge [sflag:s4], $0x0  }
0x19: {  	s7 =	sld [smem:$0x3F92]  }
0x1a: {  	s8 =	sadd.s32 $0xFFFFE003, lr  }
0x1b: {  	s9 =	sadd.s32 $0xFFFFFEF7, lr;
	s5 =	simm.s32 $0xFFFFFFFF;
	p2 =	slt.u32 s8, $0xFFFFF086  }
0x1c: {  	p1 =	slt.u32 s9, $0xF7A;
	s5 =	simm.s32 @!p2 $0x0  }
0x1d: {  	s5 =	simm.s32 @p1 $0x1;
	p0 =	seq.s32 s7, s2  }
0x1e: {  	s7 =	smul.u32 @!p0 $0xF7A, s2;
	p2 =	seq.s32 @!p0 s5, $0x0  }
0x1f: {  	s9 =	smul.u32 $0xF7A, s1;
	s8 =	simm.s32 @!p0 $0x1BF5;
	p2 =	por !p2, p0  }
0x20: {  	[sflag:s8] =	ssyncset.s32 @!p0 $0xFFFFF086;
	s6 =	sadd.s32 @!p0 s3, s7;
	s7 =	simm.s32 @!p0 $0x108  }
0x21: {  	s3 =	sadd.s32 s3, s9;
	s6 =	sadd.s32 @!p0 $0x88, s6;
	s7 =	simm.s32 @p2 $0x1082  }
0x22: {  	[simem:s7], [sflag:s8] =	dma.local @!p0 [hbm:s6], $0xF7A  }
0x23: {  	s9 =	sor.u32 $0xD0000000, s2;
	s6 =	simm.s32 $0x108;
	_ =	swait.ge @!p0 [sflag:s8], $0x0  }
0x24: {  	s3 =	sadd.s32 $0x88, s3;
	s6 =	simm.s32 @!p1 $0x1082;
	[sflag:s4] =	ssyncset.s32 $0xFFFFF086  }
0x25: {  	[simem:s6], [sflag:s4] =	dma.local [hbm:s3], $0xF7A  }
0x26: {  	[smem:$0x3F92] =	sst s1;
	(tag) =	ssettag s2;
	_ =	strace s9  }
0x27: {  	s1 =	sld [smem:$0x3FA2]  }
0x28: {  	s2 =	sld [smem:$0x3FA3]  }
0x29: {  	s4 =	sld [smem:$0x3FA5]  }
0x2a: {  	p0 =	seq.s32 s5, $0x0;
	s5 =	sld [smem:$0x3FA6]  }
0x2b: {  	s6 =	sld [smem:$0x3FA7]  }
0x2c: {  	s7 =	sld [smem:$0x3FA8]  }
0x2d: {  	s3 =	simm.s32 $0x108;
	s8 =	sld [smem:$0x3FA9]  }
0x2e: {  	s3 =	simm.s32 @!p0 $0x1082;
	s9 =	sld [smem:$0x3FAA]  }
0x2f: {  	lr =	sadd.s32 s0, s3;
	s0 =	sld [smem:$0x3FA1]  }
0x30: {  	s3 =	sld [smem:$0x3FA4]  }
0x31: {  	[smem:$0x3FAD] =	sst s10  }
0x32: {  	s10 =	sld [smem:$0x3FAB];
	_ =	sdelay $0x3  }
0x33: {  	p0 =	seq.s32 s10, $0x1;
	s10 =	sld [smem:$0x3FAD];
	_ =	sdelay $0x3  }
0x34: {  	[smem:$0x3FAD] =	sst s10  }
0x35: {  	s10 =	sld [smem:$0x3FAC];
	_ =	sdelay $0x3  }
0x36: {  	p1 =	seq.s32 s10, $0x1;
	s10 =	sld [smem:$0x3FAD];
	_ =	sdelay $0x3  }
0x37: {  	[smem:$0x3FAD] =	sst s10  }
0x38: {  	s10 =	sld [smem:$0x3FAE]  }
0x39: {  	_ = 	snop;
	(pc) =	sbr.ind lr, $3  }
0x3a: {  	_ = 	snop  }
0x3b: {  	_ = 	snop  }
0x3c: {  	p2 =	seq.s32 s10, $0x1;
	s10 =	sld [smem:$0x3FAD]  }
0x3d: {  	_ =	shalt  }
0x3e: {  	_ =	shalt  }
0x3f: {  	_ =	shalt  }
0x40: {  	_ =	shalt  }
0x41: {  	_ =	shalt  }
0x42: {  	_ =	shalt  }
0x43: {  	_ =	shalt  }
0x44: {  	_ =	shalt  }
0x45: {  	_ =	shalt  }
0x46: {  	_ =	shalt  }
0x47: {  	_ =	shalt  }
0x48: {  	_ =	shalt  }
0x49: {  	_ =	shalt  }
0x4a: {  	_ =	shalt  }
0x4b: {  	_ =	shalt  }
0x4c: {  	_ =	shalt  }
0x4d: {  	_ =	shalt  }
0x4e: {  	_ =	shalt  }
0x4f: {  	_ =	shalt  }
0x50: {  	_ =	shalt  }
0x51: {  	_ =	shalt  }
0x52: {  	_ =	shalt  }
0x53: {  	_ =	shalt  }
0x54: {  	_ =	shalt  }
0x55: {  	_ =	shalt  }
0x56: {  	_ =	shalt  }
0x57: {  	_ =	shalt  }
0x58: {  	_ =	shalt  }
0x59: {  	_ =	shalt  }
0x5a: {  	_ =	shalt  }
0x5b: {  	_ =	shalt  }
0x5c: {  	_ =	shalt  }
0x5d: {  	_ =	shalt  }
0x5e: {  	_ =	shalt  }
0x5f: {  	_ =	shalt  }
0x60: {  	_ =	shalt  }
0x61: {  	_ =	shalt  }
0x62: {  	_ =	shalt  }
0x63: {  	_ =	shalt  }
0x64: {  	_ =	shalt  }
0x65: {  	_ =	shalt  }
0x66: {  	_ =	shalt  }
0x67: {  	_ =	shalt  }
0x68: {  	_ =	shalt  }
0x69: {  	_ =	shalt  }
0x6a: {  	_ =	shalt  }
0x6b: {  	_ =	shalt  }
0x6c: {  	_ =	shalt  }
0x6d: {  	_ =	shalt  }
0x6e: {  	_ =	shalt  }
0x6f: {  	_ =	shalt  }
0x70: {  	_ =	shalt  }
0x71: {  	_ =	shalt  }
0x72: {  	_ =	shalt  }
0x73: {  	_ =	shalt  }
0x74: {  	_ =	shalt  }
0x75: {  	_ =	shalt  }
0x76: {  	_ =	shalt  }
0x77: {  	_ =	shalt  }
0x78: {  	_ =	shalt  }
0x79: {  	_ =	shalt  }
0x7a: {  	_ =	shalt  }
0x7b: {  	_ =	shalt  }
0x7c: {  	_ =	shalt  }
0x7d: {  	_ =	shalt  }
0x7e: {  	_ =	shalt  }
0x7f: {  	_ =	shalt  }
0x80: {  	_ =	shalt  }
0x81: {  	_ =	shalt  }
0x82: {  	_ =	shalt  }
0x83: {  	_ =	shalt  }
0x84: {  	_ =	shalt  }
0x85: {  	_ =	shalt  }
0x86: {  	_ =	shalt  }
0x87: {  	_ =	shalt  }
.Lfunc_end0:
.L_simem_size_0:
called_computation_lowered:
.L_overlay_start_0:
0x88: {  	s2 =	sld [smem:$0x3FD9]  }
0x89: {  	s3 =	sld [smem:$0x3FFE];
	_ =	sdelay $0x1  }
0x8a: {  	s1 =	srdreg.scid  }
0x8b: {  	s0 =	sand.u32 $0x1, s1  }
0x8c: {  	s17 =	sshll.u32 s0, $0xA;
	s2 =	sadd.s32 s3, s2  }
0x8d: {  	s2 =	sadd.s32 s2, s17  }
0x8e: {  	[smem:$0x3FB9] =	sst s2  }
0x8f: {  	_ = 	snop  }
0x90: {  	s2 =	sld [smem:$0x3FD0];
	(tm) =	ssettm $0x1  }
0x91: {  	s18 =	sld [smem:$0x3FFB];
	_ =	sdelay $0x3  }
0x92: {  	_ =	strace s18  }
0x93: {  	s3 =	sld [smem:$0x3FFC];
	_ =	sdelay $0x3  }
0x94: {  	_ =	strace s3  }
0x95: {  	s3 =	sld [smem:$0x3FFD];
	_ =	sdelay $0x3  }
0x96: {  	_ =	strace s3  }
0x97: {  	_ =	strace $0x8FFFFFFF  }
0x98: {  	s19 =	sld [smem:$0x3FDB];
	_ =	sdelay $0x1  }
0x99: {  	s4 =	simm.s32 $_scs_section_size  }
0x9a: {  	s5 =	simm.s32 $_size__tile_overlayer_lowered;
	s6 =	simm.s32 $_tile_overlayer_lowered  }
0x9b: {  	s22 =	simm.s32 $0x1BFF;
	s21 =	sshll.u32 s6, $0x1;
	s3 =	sadd.s32 s4, s19  }
0x9c: {  	s7 =	simm.s32 $0x0;
	s20 =	sshll.u32 s5, $0x1;
	s5 =	sadd.s32 s21, s3  }
0x9d: {  	[timem:s7], [sflag:s22] =	dma.local [hbm:s5], s20  }
0x9e: {  	_ =	swait.ge [sflag:s22], s20  }
0x9f: {  	s4 =	ssub.s32 $0x0, s20;
	[sflag:s22] =	ssyncset.done $0x0  }
0xa0: {  	[sflag:s22] =	ssyncadd.s32 s4;
	_ =	sdelay $0x1  }
0xa1: {  	s23 =	simm.s32 $0x1B8B  }
0xa2: {  	_ =	swait.ge [sflag:s23], $0x1  }
0xa3: {  	[sflag:s23] =	ssyncset.done $0x0  }
0xa4: {  	s25 =	simm.s32 $0x1B8E;
	s24 =	sld [smem:$0x3FFE];
	[sflag:s23] =	ssyncadd.s32 $0xFFFFFFFF  }
0xa5: {  	s26 =	simm.s32 $execute0_lowered;
	[smem:$0x3FD2] =	sst s25  }
0xa6: {  	s5 =	sshll.u32 s26, $0x1;
	_ =	strace $0x80000046;
	[dreg:$0x1] =	wrdreg $0xFFFFFFFF  }
0xa7: {  	s28 =	simm.s32 $_size_execute0_lowered;
	s3 =	sadd.s32 s3, s5;
	[dreg:$0x0] =	wrdreg $0x0  }
0xa8: {  	s5 =	sshll.u32 s28, $0x1;
	[dreg:$0x2] =	wrdreg s3  }
0xa9: {  	[dreg:$0x3] =	wrdreg s5  }
0xaa: {  	[dreg:$0x4] =	wrdreg $0xC0  }
0xab: {  	_ =	task [dreg:s7], $0x5FFFF  }
0xac: {  	[dreg:$0x1] =	wrdreg $0xFFFFFFFF  }
0xad: {  	[dreg:$0x0] =	wrdreg $0x60  }
0xae: {  	[dreg:$0x2] =	wrdreg s24  }
0xaf: {  	[dreg:$0x3] =	wrdreg s2  }
0xb0: {  	[dreg:$0x4] =	wrdreg $0x9  }
0xb1: {  	_ =	task.clear_ibuf [dreg:s7], $0x5FFFF;
	_ =	strace $0x90000046  }
0xb2: {  	s29 =	simm.s32 $0x9;
	_ =	strace $0x80000048  }
0xb3: {  	_ =	swait.ge [sflag:s29], $0x1  }
0xb4: {  	[sflag:s29] =	ssyncadd.s32 $0xFFFFFFFF  }
0xb5: {  	_ =	strace $0x90000048  }
0xb6: {  	_ =	sfence  }
0xb7: {  	s30 =	sld [smem:$0x0];
	_ =	sdelay $0x2  }
0xb8: {  	s31 =	sshll.u32 s1, $0xD;
	s1 =	sshrl.u32 s1, $0x2  }
0xb9: {  	s3 =	sand.u32 $0x4000, s31;
	s1 =	sadd.s32 s1, s30  }
0xba: {  	s0 =	sor.u32 s3, s0;
	s1 =	sshll.u32 s1, $0x11  }
0xbb: {  	s0 =	sor.u32 s1, s0  }
0xbc: {  	s0 =	sadd.s32 $0x8F2B, s0  }
0xbd: {  	[sflag:s0] =	ssyncadd.remote.s32 $0x1  }
0xbe: {  	_ =	sfence.sel $0xFFFF  }
0xbf: {  	[dreg:$0x0] =	wrdreg $0xFFFFFFFF;
	(pc) =	sbr.abs _section_cstart, $3  }
0xc0: {  	[dreg:$0x1] =	wrdreg $0xFFFFFFFF  }
0xc1: {  	_ =	task.clear_ibuf [dreg:s7], $0x2FFFF;
	_ =	strace $0x9FFFFFFF  }
0xc2: {  	(tm) =	ssettm $0x7FFFFFFF  }
0xc3: {  	_ =	shalt  }
tec
execute0_lowered:
.L_overlay_start_1:
0x0: {  	(tag) =	ssettag $0x1  }
0x1: {  	s1 =	srdreg.scid  }
0x2: {  	s8 =	rddreg [dreg:$0x0];
	s0 =	stileid.u32  }
0x3: {  	s3 =	rddreg [dreg:$0x1];
	s2 =	simm.s32 $0x0;
	s6 =	sand.u32 $0x1, s1  }
0x4: {  	s4 =	sshll.u32 s0, $0x8;
	s1 =	rddreg [dreg:$0x2];
	s5 =	sshll.u32 s6, $0x7  }
0x5: {  	s7 =	simm.s32 $0x1;
	[smem:$0x7FF] =	sst s2;
	s9 =	sor.u32 s5, s4  }
0x6: {  	_ =	strace $0x80000047;
	s10 =	ssub.s32 $0x2, s6;
	s4 =	sshrl.u32 s9, $0x3  }
0x7: {  	s6 =	simm.s32 $0x80;
	s4 =	sadd.s32 s3, s4;
	s3 =	simm.s32 $0x2  }
0x8: {  	[tilespmem:s2], [sflag:$0x2] =	stream.linear.gather [hbm4b:s4+s2], $0x80, $0x38;
	[tilespmem:$0x4080] =	vst v63  }
0x9: {  	s5 =	sadd.s32 $0x188C00, s8;
	s11 =	sshrl.u32 s10, $0x1;
	_ =	swait.ge [sflag:s3], $0x80  }
0xa: {  	s9 =	sshll.u32 s9, $0x4;
	s31 =	ssub.s32 s10, s11;
	[sflag:s3] =	ssyncset.done $0x0  }
0xb: {  	s8 =	sadd.s32 s9, s8;
	s9 =	smax.u32 s31, $0x1;
	[sflag:s3] =	ssyncadd.s32 $0xFFFFFF80  }
0xc: {  	[tilespmem:s6], [sflag:$0x1] =	stream.indirect.gather [hbm4b:s5+s6], $0x80, s2, s6, $0xb8;
	[tilespmem:$0x4080] =	vst v63  }
0xd: {  	p0 =	sne.s32 s9, $0x1;
	_ =	swait.ge [sflag:s7], $0x4000  }
.Ltmp0:
0xe: {  	[sflag:s7] =	ssyncset.done $0x0;
	(pc) =	sbr.rel @!p0 .LBB2_2-.Ltmp0, $4  }
0xf: {  	s8 =	sadd.s32 $0x2200, s8;
	[sflag:s7] =	ssyncadd.s32 $0xFFFFC000  }
0x10: {  	[hbm4b:s8+s2] =	stream.linear.scatter [tilespmem:s6], [sflag:$0x2], $0x4000, $0x38;
	[tilespmem:$0x4080] =	vst v63  }
0x11: {  	_ =	swait.ge [sflag:s3], $0x4000  }
0x12: {  	s9 =	sadd.s32 $0xFFFFFFFF, s9;
	[sflag:s3] =	ssyncset.done $0x0  }
.LBB2_1:
0x13: {  	p0 =	sne.s32 s9, $0x1;
	s9 =	sadd.s32 $0xFFFFFFFF, s9;
	[sflag:s3] =	ssyncadd.s32 $0xFFFFC000  }
0x14: {  	[tilespmem:s2], [sflag:$0x2] =	stream.linear.gather [hbm4b:s4+s2], $0x80, $0x38;
	[tilespmem:$0x4080] =	vst v63  }
0x15: {  	_ =	swait.ge [sflag:s3], $0x80  }
0x16: {  	[sflag:s3] =	ssyncset.done $0x0  }
0x17: {  	[sflag:s3] =	ssyncadd.s32 $0xFFFFFF80  }
0x18: {  	[tilespmem:s6], [sflag:$0x1] =	stream.indirect.gather [hbm4b:s5+s6], $0x80, s2, s6, $0xb8;
	[tilespmem:$0x4080] =	vst v63  }
0x19: {  	_ =	swait.ge [sflag:s7], $0x4000  }
.Ltmp1:
0x1a: {  	[sflag:s7] =	ssyncset.done $0x0;
	(pc) =	sbr.rel @p0 .LBB2_1-.Ltmp1, $4  }
0x1b: {  	[sflag:s7] =	ssyncadd.s32 $0xFFFFC000  }
0x1c: {  	[hbm4b:s8+s2] =	stream.linear.scatter [tilespmem:s6], [sflag:$0x2], $0x4000, $0x38;
	[tilespmem:$0x4080] =	vst v63  }
0x1d: {  	_ =	swait.ge [sflag:s3], $0x4000  }
0x1e: {  	[sflag:s3] =	ssyncset.done $0x0  }
.LBB2_2:
0x1f: {  	[sflag:s3] =	ssyncadd.s32 $0xFFFFC000  }
0x20: {  	_ =	sfence.sel $0x180000  }
0x21: {  	[bflag:$0x0] =	sbarrier.arrive $0xFFFF  }
0x22: {  	p0 =	sne.s32 s0, $0x0;
	_ =	strace $0x90000047  }
0x23: {  	s0 =	sadd.s32 @!p0 $0x100000, s1;
	[bflag:$0x2] =	sbarrier.arrive $0xFFFF  }
0x24: {  	[sflag:s0] =	ssyncadd.tile.s32 @!p0 $0x1;
	_ =	shalt  }
.Lfunc_end2:
_tile_overlayer_lowered:
.L_overlay_start_2:
0x25: {  	(tag) =	ssettag $0x2  }
0x26: {  	s0 =	rddreg [dreg:$0x0];
	s2 =	stileid.u32  }
0x27: {  	s1 =	rddreg [dreg:$0x1];
	p0 =	sne.s32 s2, $0x0  }
0x28: {  	s3 =	rddreg [dreg:$0x2];
	[bflag:$0x3] =	sbarrier.arrive $0xFFFF;
	s2 =	simm.s32 @!p0 $0x1C02  }
0x29: {  	[timem:s3], [sflag:s2] =	dma.local @!p0 [hbm:s0], s1  }
0x2a: {  	s0 =	simm.s32 @!p0 $0x2  }
0x2b: {  	_ =	swait.ge @!p0 [sflag:s0], s1  }
0x2c: {  	s1 =	ssub.s32 @!p0 $0x0, s1;
	[sflag:s0] =	ssyncset.done @!p0 $0x0  }
0x2d: {  	[sflag:s0] =	ssyncadd.s32 @!p0 s1  }
0x2e: {  	[bflag:$0x3] =	sbarrier.arrive $0xFFFF  }
0x2f: {  	_ =	shalt  }

</sc_bundles>
